<compile_context>
chip_gen: v7x
topology: tpu7x:2x2x1
jax: 0.10.2.dev20260603
libtpu: 0.0.44.dev20260713+nightly
codegen_flags: <defaults>
</compile_context>

<pallas_src>
import jax
import jax.numpy as jnp
from jax import lax
from jax.experimental import pallas as pl
from jax.experimental.pallas import tpu as pltpu
from jax.experimental.pallas import tpu_sc as plsc

_N = 1_000_000
_C = 100
_N_BINS = 20
_ROW_BLOCK = 16384
_GRID = 62
_NPAD = _GRID * _ROW_BLOCK
_NW = 32
_LANES = 16
_CHUNK = _NPAD // _NW
_ITERS = _CHUNK // _LANES
_KEYS = 64
_LAB_LAST = _N - (_NW - 1) * _CHUNK


def _dense_body(logits_ref, v_ref):
    x = logits_ref[...]
    col = lax.broadcasted_iota(jnp.int32, x.shape, 1)
    xp = lax.bitcast_convert_type(
        (lax.bitcast_convert_type(x, jnp.int32) & ~0x7F) | col, jnp.float32)
    mm = jnp.max(xp, axis=1, keepdims=True)
    s = jnp.sum(jnp.exp(x - mm), axis=1, keepdims=True)
    si = lax.bitcast_convert_type(s, jnp.int32)
    mi = lax.bitcast_convert_type(mm, jnp.int32)
    v = lax.bitcast_convert_type((si & ~0x7F) | (mi & 0x7F), jnp.float32)
    v_ref[...] = v.reshape(_ROW_BLOCK // 64, 64)


def _sc_hist_body(v_hbm, labels_hbm, cnt_out, sconf_out,
                  v_v, lab_v, acc_cnt, acc_conf):
    wid = lax.axis_index("s") * 2 + lax.axis_index("c")
    base = wid * _CHUNK
    pltpu.sync_copy(v_hbm.at[pl.ds(base, _CHUNK)], v_v)

    @pl.when(wid < _NW - 1)
    def _():
        pltpu.sync_copy(labels_hbm.at[pl.ds(base, _CHUNK)], lab_v)

    @pl.when(wid == _NW - 1)
    def _():
        pltpu.sync_copy(labels_hbm.at[pl.ds(base, _LAB_LAST)],
                        lab_v.at[pl.ds(0, _LAB_LAST)])

    zeros16 = jnp.zeros((_LANES,), jnp.float32)
    for k in range(_KEYS):
        acc_cnt[pl.ds(k * _LANES, _LANES)] = zeros16
        acc_conf[pl.ds(k * _LANES, _LANES)] = zeros16
    lane = lax.iota(jnp.int32, _LANES)
    ones16 = jnp.ones((_LANES,), jnp.float32)

    def body(i, gidx):
        v16 = v_v[pl.ds(i * _LANES, _LANES)]
        lab16 = lab_v[pl.ds(i * _LANES, _LANES)]
        pred = lax.bitcast_convert_type(v16, jnp.int32) & 0x7F
        conf = 1.0 / v16
        bin_ = lax.convert_element_type(conf * float(_N_BINS), jnp.int32)
        bin_ = jnp.minimum(jnp.maximum(bin_, 0), _N_BINS - 1)
        fi = jnp.where(pred == lab16, 32 * _LANES, 0) + bin_ * _LANES + lane
        mask = gidx < _N
        plsc.addupdate_scatter(acc_cnt, [fi], ones16, mask=mask)
        plsc.addupdate_scatter(acc_conf, [fi], conf, mask=mask)
        return gidx + _LANES

    lax.fori_loop(0, _ITERS, body, base + lane)
    pltpu.sync_copy(acc_cnt, cnt_out.at[wid])
    pltpu.sync_copy(acc_conf, sconf_out.at[wid])


def _combine_body(cnt_ref, sconf_ref, mbin_ref, macc_ref, ece_ref, ys_ref):
    cnt_tot = jnp.sum(cnt_ref[...], axis=0, keepdims=True)
    sconf_tot = jnp.sum(sconf_ref[...], axis=0, keepdims=True)
    mbin = mbin_ref[...]
    macc = macc_ref[...]
    count = jnp.dot(cnt_tot, mbin, preferred_element_type=jnp.float32)
    sum_acc = jnp.dot(cnt_tot, macc, preferred_element_type=jnp.float32)
    sum_conf = jnp.dot(sconf_tot, mbin, preferred_element_type=jnp.float32)
    lane32 = lax.broadcasted_iota(jnp.int32, (1, 32), 1)
    valid = (lane32 < _N_BINS) & (count > 0.0)
    safe = jnp.maximum(count, 1.0)
    acc_in = jnp.where(valid, sum_acc / safe, 0.0)
    conf_in = jnp.where(valid, sum_conf / safe, 0.0)
    prop = count / float(_N)
    per_bin = jnp.where(valid, jnp.abs(conf_in - acc_in) * prop, 0.0)
    ece_ref[...] = jnp.sum(per_bin, keepdims=True).reshape(1, 1)
    ys_ref[...] = acc_in


def kernel(logits, labels):
    n, c = logits.shape
    b = _ROW_BLOCK

    v_p = pl.pallas_call(
        _dense_body,
        grid=(_GRID,),
        in_specs=[pl.BlockSpec((b, c), lambda i: (i, 0))],
        out_specs=pl.BlockSpec((b // 64, 64), lambda i: (i, 0)),
        out_shape=jax.ShapeDtypeStruct((_NPAD // 64, 64), jnp.float32),
    )(logits)

    mesh = plsc.VectorSubcoreMesh(
        core_axis_name="c", subcore_axis_name="s",
        num_cores=2, num_subcores=16,
    )
    sc_hist = pl.kernel(
        _sc_hist_body,
        out_type=[
            jax.ShapeDtypeStruct((_NW, _KEYS * _LANES), jnp.float32),
            jax.ShapeDtypeStruct((_NW, _KEYS * _LANES), jnp.float32),
        ],
        mesh=mesh,
        compiler_params=pltpu.CompilerParams(needs_layout_passes=False),
        scratch_types=[
            pltpu.VMEM((_CHUNK,), jnp.float32),
            pltpu.VMEM((_CHUNK,), jnp.int32),
            pltpu.VMEM((_KEYS * _LANES,), jnp.float32),
            pltpu.VMEM((_KEYS * _LANES,), jnp.float32),
        ],
    )
    cnt_part, sconf_part = sc_hist(v_p.reshape(_NPAD), labels)

    flat_key = jnp.arange(_KEYS * _LANES, dtype=jnp.int32) // _LANES
    bins = jnp.arange(32, dtype=jnp.int32)
    mbin = ((flat_key % 32)[:, None] == bins[None, :]).astype(jnp.float32)
    macc = (flat_key[:, None] == (bins[None, :] + 32)).astype(jnp.float32)

    ece2, ys2 = pl.pallas_call(
        _combine_body,
        in_specs=[
            pl.BlockSpec((_NW, _KEYS * _LANES), lambda: (0, 0)),
            pl.BlockSpec((_NW, _KEYS * _LANES), lambda: (0, 0)),
            pl.BlockSpec((_KEYS * _LANES, 32), lambda: (0, 0)),
            pl.BlockSpec((_KEYS * _LANES, 32), lambda: (0, 0)),
        ],
        out_specs=[
            pl.BlockSpec((1, 1), lambda: (0, 0)),
            pl.BlockSpec((1, 32), lambda: (0, 0)),
        ],
        out_shape=[
            jax.ShapeDtypeStruct((1, 1), jnp.float32),
            jax.ShapeDtypeStruct((1, 32), jnp.float32),
        ],
    )(cnt_part, sconf_part, mbin, macc)

    return (ece2.reshape(1), ys2[0, :_N_BINS])

# --- scband reference (transcript-rebuilt; emitter-appended) ---
"""Pipeline reference for scband-eceloss-52913997087021 (READ-ONLY COPY).

The authoritative reference and input builder live on the scoring server;
editing this copy changes nothing except your own understanding.
"""

import jax, jax.numpy as jnp
import numpy as np

N_BINS = 20
TEMPERATURE = 1.0


def setup_inputs(seed: int = 0) -> dict:
    key = jax.random.key(seed)
    k1, k2 = jax.random.split(key)
    logits = jax.random.normal(k1, (1000000, 100), dtype=jnp.float32)
    labels = jax.random.randint(k2, (1000000,), 0, 100, dtype=jnp.int64 if jax.config.jax_enable_x64 else jnp.int32).astype(jnp.int32)
    return {"logits": logits, "labels": labels}


def reference(logits, labels):
    bin_boundaries = jnp.linspace(0.0, 1.0, N_BINS + 1)
    bin_lowers = bin_boundaries[:-1]
    bin_uppers = bin_boundaries[1:]

    softmaxes = jax.nn.softmax(logits / TEMPERATURE, axis=1)
    confidences = jnp.max(softmaxes, axis=1)
    predictions = jnp.argmax(softmaxes, axis=1)
    accuracies = (predictions == labels).astype(jnp.float32)

    n = confidences.shape[0]
    # in_bin[b, i] = (conf_i > lower_b) & (conf_i <= upper_b)
    in_bin = (confidences[None, :] > bin_lowers[:, None]) & (confidences[None, :] <= bin_uppers[:, None])
    in_bin_f = in_bin.astype(jnp.float32)

    count = jnp.sum(in_bin_f, axis=1)
    prop_in_bin = count / float(n)
    safe_count = jnp.maximum(count, 1.0)

    acc_in_bin = jnp.where(count > 0, (in_bin_f @ accuracies) / safe_count, 0.0)
    conf_in_bin = jnp.where(count > 0, (in_bin_f @ confidences) / safe_count, 0.0)

    per_bin = jnp.where(count > 0, jnp.abs(conf_in_bin - acc_in_bin) * prop_in_bin, 0.0)
    ece = jnp.reshape(jnp.sum(per_bin), (1,))
    ys = acc_in_bin  # accuracy per bin, 0.0 for empty bins, matching the torch module
    return (ece, ys)

if __name__ == "__main__":
    import jax
    _d = setup_inputs()
    print(jax.jit(kernel)(*tuple(_d.values())))

</pallas_src>

<mosaic_0001>
#map = affine_map<(d0, d1) -> (0)>
#map1 = affine_map<(d0, d1) -> (0, 0)>
module attributes {stable_mosaic.version = 14 : i64} {
  func.func @_sc_hist_body(%arg0: i32, %arg1: i32, %arg2: memref<1015808xf32, #tpu.memory_space<hbm>>, %arg3: memref<1000000xi32, #tpu.memory_space<hbm>>, %arg4: memref<32x1024xf32, #tpu.memory_space<hbm>>, %arg5: memref<32x1024xf32, #tpu.memory_space<hbm>>, %arg6: memref<31744xf32, #tpu.memory_space<vmem>>, %arg7: memref<31744xi32, #tpu.memory_space<vmem>>, %arg8: memref<1024xf32, #tpu.memory_space<vmem>>, %arg9: memref<1024xf32, #tpu.memory_space<vmem>>) attributes {dimension_semantics = [#tpu.dimension_semantics<core_parallel>, #tpu.dimension_semantics<subcore_parallel>], iteration_bounds = array<i64: 2, 16>, scalar_prefetch = 0 : i64, scratch_operands = 4 : i64, tpu.core_type = #tpu.core_type<sc_vector_subcore>, window_params = [{transform_indices = #map}, {transform_indices = #map}, {transform_indices = #map1}, {transform_indices = #map1}]} {
    %mul3A = arith.constant 2 : i32
    %mul3A_0 = arith.muli %arg1, %mul3A : i32
    %add3A = arith.addi %mul3A_0, %arg0 : i32
    %mul3A_1 = arith.constant 31744 : i32
    %mul3A_2 = arith.muli %add3A, %mul3A_1 : i32
    "tpu.region"() ({
      %run_scoped3A = tpu.sem_alloc : memref<!tpu.dma_semaphore, #tpu.memory_space<semaphore_mem>>
      %dma_start3A = tpu.memref_slice %arg2[%mul3A_2] : memref<1015808xf32, #tpu.memory_space<hbm>> -> memref<31744xf32, #tpu.memory_space<hbm>>
      %dma_start3A_274 = tpu.memref_slice %arg2[%mul3A_2] : memref<1015808xf32, #tpu.memory_space<hbm>> -> memref<31744xf32, #tpu.memory_space<hbm>>
      tpu.enqueue_dma source(%dma_start3A_274 : memref<31744xf32, #tpu.memory_space<hbm>>) target(%arg6 : memref<31744xf32, #tpu.memory_space<vmem>>) target_semaphore(%run_scoped3A : memref<!tpu.dma_semaphore, #tpu.memory_space<semaphore_mem>>)
      %dma_wait3A = tpu.memref_slice %arg2[%mul3A_2] : memref<1015808xf32, #tpu.memory_space<hbm>> -> memref<31744xf32, #tpu.memory_space<hbm>>
      %dma_wait3A_275 = tpu.memref_slice %arg2[%mul3A_2] : memref<1015808xf32, #tpu.memory_space<hbm>> -> memref<31744xf32, #tpu.memory_space<hbm>>
      tpu.wait_dma2 semaphore(%run_scoped3A : memref<!tpu.dma_semaphore, #tpu.memory_space<semaphore_mem>>) src(%dma_wait3A_275 : memref<31744xf32, #tpu.memory_space<hbm>>) dst(%arg6 : memref<31744xf32, #tpu.memory_space<vmem>>)
      tpu.yield
    }) : () -> ()
    %lt3A = arith.constant 31 : i32
    %lt3A_3 = arith.cmpi slt, %add3A, %lt3A : i32
    %convert_element_type3A = arith.extui %lt3A_3 : i1 to i32
    %cond3A = arith.constant 0 : i32
    %cond3A_4 = arith.cmpi ne, %convert_element_type3A, %cond3A : i32
    scf.if %cond3A_4 {
      "tpu.region"() ({
        %run_scoped3A = tpu.sem_alloc : memref<!tpu.dma_semaphore, #tpu.memory_space<semaphore_mem>>
        %dma_start3A = tpu.memref_slice %arg3[%mul3A_2] : memref<1000000xi32, #tpu.memory_space<hbm>> -> memref<31744xi32, #tpu.memory_space<hbm>>
        %dma_start3A_274 = tpu.memref_slice %arg3[%mul3A_2] : memref<1000000xi32, #tpu.memory_space<hbm>> -> memref<31744xi32, #tpu.memory_space<hbm>>
        tpu.enqueue_dma source(%dma_start3A_274 : memref<31744xi32, #tpu.memory_space<hbm>>) target(%arg7 : memref<31744xi32, #tpu.memory_space<vmem>>) target_semaphore(%run_scoped3A : memref<!tpu.dma_semaphore, #tpu.memory_space<semaphore_mem>>)
        %dma_wait3A = tpu.memref_slice %arg3[%mul3A_2] : memref<1000000xi32, #tpu.memory_space<hbm>> -> memref<31744xi32, #tpu.memory_space<hbm>>
        %dma_wait3A_275 = tpu.memref_slice %arg3[%mul3A_2] : memref<1000000xi32, #tpu.memory_space<hbm>> -> memref<31744xi32, #tpu.memory_space<hbm>>
        tpu.wait_dma2 semaphore(%run_scoped3A : memref<!tpu.dma_semaphore, #tpu.memory_space<semaphore_mem>>) src(%dma_wait3A_275 : memref<31744xi32, #tpu.memory_space<hbm>>) dst(%arg7 : memref<31744xi32, #tpu.memory_space<vmem>>)
        tpu.yield
      }) : () -> ()
    } else {
    }
    %eq3A = arith.constant 31 : i32
    %eq3A_5 = arith.cmpi eq, %add3A, %eq3A : i32
    %convert_element_type3A_6 = arith.extui %eq3A_5 : i1 to i32
    %cond3A_7 = arith.constant 0 : i32
    %cond3A_8 = arith.cmpi ne, %convert_element_type3A_6, %cond3A_7 : i32
    scf.if %cond3A_8 {
      "tpu.region"() ({
        %run_scoped3A = tpu.sem_alloc : memref<!tpu.dma_semaphore, #tpu.memory_space<semaphore_mem>>
        %dma_start3A = arith.constant 0 : i32
        %dma_start3A_274 = tpu.memref_slice %arg7[%dma_start3A] : memref<31744xi32, #tpu.memory_space<vmem>> -> memref<15936xi32, #tpu.memory_space<vmem>>
        %dma_start3A_275 = tpu.memref_slice %arg3[%mul3A_2] : memref<1000000xi32, #tpu.memory_space<hbm>> -> memref<15936xi32, #tpu.memory_space<hbm>>
        %dma_start3A_276 = arith.constant 0 : i32
        %dma_start3A_277 = tpu.memref_slice %arg7[%dma_start3A_276] : memref<31744xi32, #tpu.memory_space<vmem>> -> memref<15936xi32, #tpu.memory_space<vmem>>
        %dma_start3A_278 = tpu.memref_slice %arg3[%mul3A_2] : memref<1000000xi32, #tpu.memory_space<hbm>> -> memref<15936xi32, #tpu.memory_space<hbm>>
        tpu.enqueue_dma source(%dma_start3A_278 : memref<15936xi32, #tpu.memory_space<hbm>>) target(%dma_start3A_277 : memref<15936xi32, #tpu.memory_space<vmem>>) target_semaphore(%run_scoped3A : memref<!tpu.dma_semaphore, #tpu.memory_space<semaphore_mem>>)
        %dma_wait3A = arith.constant 0 : i32
        %dma_wait3A_279 = tpu.memref_slice %arg7[%dma_wait3A] : memref<31744xi32, #tpu.memory_space<vmem>> -> memref<15936xi32, #tpu.memory_space<vmem>>
        %dma_wait3A_280 = tpu.memref_slice %arg3[%mul3A_2] : memref<1000000xi32, #tpu.memory_space<hbm>> -> memref<15936xi32, #tpu.memory_space<hbm>>
        %dma_wait3A_281 = arith.constant 0 : i32
        %dma_wait3A_282 = tpu.memref_slice %arg7[%dma_wait3A_281] : memref<31744xi32, #tpu.memory_space<vmem>> -> memref<15936xi32, #tpu.memory_space<vmem>>
        %dma_wait3A_283 = tpu.memref_slice %arg3[%mul3A_2] : memref<1000000xi32, #tpu.memory_space<hbm>> -> memref<15936xi32, #tpu.memory_space<hbm>>
        tpu.wait_dma2 semaphore(%run_scoped3A : memref<!tpu.dma_semaphore, #tpu.memory_space<semaphore_mem>>) src(%dma_wait3A_283 : memref<15936xi32, #tpu.memory_space<hbm>>) dst(%dma_wait3A_282 : memref<15936xi32, #tpu.memory_space<vmem>>)
        tpu.yield
      }) : () -> ()
    } else {
    }
    %broadcast_in_dim3A = arith.constant 0.000000e+00 : f32
    %broadcast_in_dim3A_9 = vector.broadcast %broadcast_in_dim3A : f32 to vector<16xf32>
    %swap3A = arith.constant 0 : index
    %swap3A_10 = tpu.vector_load %arg8[%swap3A] {strides = array<i32>} : memref<1024xf32, #tpu.memory_space<vmem>>, vector<16xf32>,
    tpu.vector_store %arg8[%swap3A], %broadcast_in_dim3A_9 {strides = array<i32>} : memref<1024xf32, #tpu.memory_space<vmem>>, vector<16xf32>,
    %swap3A_11 = arith.constant 0 : index
    %swap3A_12 = tpu.vector_load %arg9[%swap3A_11] {strides = array<i32>} : memref<1024xf32, #tpu.memory_space<vmem>>, vector<16xf32>,
    tpu.vector_store %arg9[%swap3A_11], %broadcast_in_dim3A_9 {strides = array<i32>} : memref<1024xf32, #tpu.memory_space<vmem>>, vector<16xf32>,
    %swap3A_13 = arith.constant 16 : index
    %swap3A_14 = tpu.vector_load %arg8[%swap3A_13] {strides = array<i32>} : memref<1024xf32, #tpu.memory_space<vmem>>, vector<16xf32>,
    tpu.vector_store %arg8[%swap3A_13], %broadcast_in_dim3A_9 {strides = array<i32>} : memref<1024xf32, #tpu.memory_space<vmem>>, vector<16xf32>,
    %swap3A_15 = arith.constant 16 : index
    %swap3A_16 = tpu.vector_load %arg9[%swap3A_15] {strides = array<i32>} : memref<1024xf32, #tpu.memory_space<vmem>>, vector<16xf32>,
    tpu.vector_store %arg9[%swap3A_15], %broadcast_in_dim3A_9 {strides = array<i32>} : memref<1024xf32, #tpu.memory_space<vmem>>, vector<16xf32>,
    %swap3A_17 = arith.constant 32 : index
    %swap3A_18 = tpu.vector_load %arg8[%swap3A_17] {strides = array<i32>} : memref<1024xf32, #tpu.memory_space<vmem>>, vector<16xf32>,
    tpu.vector_store %arg8[%swap3A_17], %broadcast_in_dim3A_9 {strides = array<i32>} : memref<1024xf32, #tpu.memory_space<vmem>>, vector<16xf32>,
    %swap3A_19 = arith.constant 32 : index
    %swap3A_20 = tpu.vector_load %arg9[%swap3A_19] {strides = array<i32>} : memref<1024xf32, #tpu.memory_space<vmem>>, vector<16xf32>,
    tpu.vector_store %arg9[%swap3A_19], %broadcast_in_dim3A_9 {strides = array<i32>} : memref<1024xf32, #tpu.memory_space<vmem>>, vector<16xf32>,
    %swap3A_21 = arith.constant 48 : index
    %swap3A_22 = tpu.vector_load %arg8[%swap3A_21] {strides = array<i32>} : memref<1024xf32, #tpu.memory_space<vmem>>, vector<16xf32>,
    tpu.vector_store %arg8[%swap3A_21], %broadcast_in_dim3A_9 {strides = array<i32>} : memref<1024xf32, #tpu.memory_space<vmem>>, vector<16xf32>,
    %swap3A_23 = arith.constant 48 : index
    %swap3A_24 = tpu.vector_load %arg9[%swap3A_23] {strides = array<i32>} : memref<1024xf32, #tpu.memory_space<vmem>>, vector<16xf32>,
    tpu.vector_store %arg9[%swap3A_23], %broadcast_in_dim3A_9 {strides = array<i32>} : memref<1024xf32, #tpu.memory_space<vmem>>, vector<16xf32>,
    %swap3A_25 = arith.constant 64 : index
    %swap3A_26 = tpu.vector_load %arg8[%swap3A_25] {strides = array<i32>} : memref<1024xf32, #tpu.memory_space<vmem>>, vector<16xf32>,
    tpu.vector_store %arg8[%swap3A_25], %broadcast_in_dim3A_9 {strides = array<i32>} : memref<1024xf32, #tpu.memory_space<vmem>>, vector<16xf32>,
    %swap3A_27 = arith.constant 64 : index
    %swap3A_28 = tpu.vector_load %arg9[%swap3A_27] {strides = array<i32>} : memref<1024xf32, #tpu.memory_space<vmem>>, vector<16xf32>,
    tpu.vector_store %arg9[%swap3A_27], %broadcast_in_dim3A_9 {strides = array<i32>} : memref<1024xf32, #tpu.memory_space<vmem>>, vector<16xf32>,
    %swap3A_29 = arith.constant 80 : index
    %swap3A_30 = tpu.vector_load %arg8[%swap3A_29] {strides = array<i32>} : memref<1024xf32, #tpu.memory_space<vmem>>, vector<16xf32>,
    tpu.vector_store %arg8[%swap3A_29], %broadcast_in_dim3A_9 {strides = array<i32>} : memref<1024xf32, #tpu.memory_space<vmem>>, vector<16xf32>,
    %swap3A_31 = arith.constant 80 : index
    %swap3A_32 = tpu.vector_load %arg9[%swap3A_31] {strides = array<i32>} : memref<1024xf32, #tpu.memory_space<vmem>>, vector<16xf32>,
    tpu.vector_store %arg9[%swap3A_31], %broadcast_in_dim3A_9 {strides = array<i32>} : memref<1024xf32, #tpu.memory_space<vmem>>, vector<16xf32>,
    %swap3A_33 = arith.constant 96 : index
    %swap3A_34 = tpu.vector_load %arg8[%swap3A_33] {strides = array<i32>} : memref<1024xf32, #tpu.memory_space<vmem>>, vector<16xf32>,
    tpu.vector_store %arg8[%swap3A_33], %broadcast_in_dim3A_9 {strides = array<i32>} : memref<1024xf32, #tpu.memory_space<vmem>>, vector<16xf32>,
    %swap3A_35 = arith.constant 96 : index
    %swap3A_36 = tpu.vector_load %arg9[%swap3A_35] {strides = array<i32>} : memref<1024xf32, #tpu.memory_space<vmem>>, vector<16xf32>,
    tpu.vector_store %arg9[%swap3A_35], %broadcast_in_dim3A_9 {strides = array<i32>} : memref<1024xf32, #tpu.memory_space<vmem>>, vector<16xf32>,
    %swap3A_37 = arith.constant 112 : index
    %swap3A_38 = tpu.vector_load %arg8[%swap3A_37] {strides = array<i32>} : memref<1024xf32, #tpu.memory_space<vmem>>, vector<16xf32>,
    tpu.vector_store %arg8[%swap3A_37], %broadcast_in_dim3A_9 {strides = array<i32>} : memref<1024xf32, #tpu.memory_space<vmem>>, vector<16xf32>,
    %swap3A_39 = arith.constant 112 : index
    %swap3A_40 = tpu.vector_load %arg9[%swap3A_39] {strides = array<i32>} : memref<1024xf32, #tpu.memory_space<vmem>>, vector<16xf32>,
    tpu.vector_store %arg9[%swap3A_39], %broadcast_in_dim3A_9 {strides = array<i32>} : memref<1024xf32, #tpu.memory_space<vmem>>, vector<16xf32>,
    %swap3A_41 = arith.constant 128 : index
    %swap3A_42 = tpu.vector_load %arg8[%swap3A_41] {strides = array<i32>} : memref<1024xf32, #tpu.memory_space<vmem>>, vector<16xf32>,
    tpu.vector_store %arg8[%swap3A_41], %broadcast_in_dim3A_9 {strides = array<i32>} : memref<1024xf32, #tpu.memory_space<vmem>>, vector<16xf32>,
    %swap3A_43 = arith.constant 128 : index
    %swap3A_44 = tpu.vector_load %arg9[%swap3A_43] {strides = array<i32>} : memref<1024xf32, #tpu.memory_space<vmem>>, vector<16xf32>,
    tpu.vector_store %arg9[%swap3A_43], %broadcast_in_dim3A_9 {strides = array<i32>} : memref<1024xf32, #tpu.memory_space<vmem>>, vector<16xf32>,
    %swap3A_45 = arith.constant 144 : index
    %swap3A_46 = tpu.vector_load %arg8[%swap3A_45] {strides = array<i32>} : memref<1024xf32, #tpu.memory_space<vmem>>, vector<16xf32>,
    tpu.vector_store %arg8[%swap3A_45], %broadcast_in_dim3A_9 {strides = array<i32>} : memref<1024xf32, #tpu.memory_space<vmem>>, vector<16xf32>,
    %swap3A_47 = arith.constant 144 : index
    %swap3A_48 = tpu.vector_load %arg9[%swap3A_47] {strides = array<i32>} : memref<1024xf32, #tpu.memory_space<vmem>>, vector<16xf32>,
    tpu.vector_store %arg9[%swap3A_47], %broadcast_in_dim3A_9 {strides = array<i32>} : memref<1024xf32, #tpu.memory_space<vmem>>, vector<16xf32>,
    %swap3A_49 = arith.constant 160 : index
    %swap3A_50 = tpu.vector_load %arg8[%swap3A_49] {strides = array<i32>} : memref<1024xf32, #tpu.memory_space<vmem>>, vector<16xf32>,
    tpu.vector_store %arg8[%swap3A_49], %broadcast_in_dim3A_9 {strides = array<i32>} : memref<1024xf32, #tpu.memory_space<vmem>>, vector<16xf32>,
    %swap3A_51 = arith.constant 160 : index
    %swap3A_52 = tpu.vector_load %arg9[%swap3A_51] {strides = array<i32>} : memref<1024xf32, #tpu.memory_space<vmem>>, vector<16xf32>,
    tpu.vector_store %arg9[%swap3A_51], %broadcast_in_dim3A_9 {strides = array<i32>} : memref<1024xf32, #tpu.memory_space<vmem>>, vector<16xf32>,
    %swap3A_53 = arith.constant 176 : index
    %swap3A_54 = tpu.vector_load %arg8[%swap3A_53] {strides = array<i32>} : memref<1024xf32, #tpu.memory_space<vmem>>, vector<16xf32>,
    tpu.vector_store %arg8[%swap3A_53], %broadcast_in_dim3A_9 {strides = array<i32>} : memref<1024xf32, #tpu.memory_space<vmem>>, vector<16xf32>,
    %swap3A_55 = arith.constant 176 : index
    %swap3A_56 = tpu.vector_load %arg9[%swap3A_55] {strides = array<i32>} : memref<1024xf32, #tpu.memory_space<vmem>>, vector<16xf32>,
    tpu.vector_store %arg9[%swap3A_55], %broadcast_in_dim3A_9 {strides = array<i32>} : memref<1024xf32, #tpu.memory_space<vmem>>, vector<16xf32>,
    %swap3A_57 = arith.constant 192 : index
    %swap3A_58 = tpu.vector_load %arg8[%swap3A_57] {strides = array<i32>} : memref<1024xf32, #tpu.memory_space<vmem>>, vector<16xf32>,
    tpu.vector_store %arg8[%swap3A_57], %broadcast_in_dim3A_9 {strides = array<i32>} : memref<1024xf32, #tpu.memory_space<vmem>>, vector<16xf32>,
    %swap3A_59 = arith.constant 192 : index
    %swap3A_60 = tpu.vector_load %arg9[%swap3A_59] {strides = array<i32>} : memref<1024xf32, #tpu.memory_space<vmem>>, vector<16xf32>,
    tpu.vector_store %arg9[%swap3A_59], %broadcast_in_dim3A_9 {strides = array<i32>} : memref<1024xf32, #tpu.memory_space<vmem>>, vector<16xf32>,
    %swap3A_61 = arith.constant 208 : index
    %swap3A_62 = tpu.vector_load %arg8[%swap3A_61] {strides = array<i32>} : memref<1024xf32, #tpu.memory_space<vmem>>, vector<16xf32>,
    tpu.vector_store %arg8[%swap3A_61], %broadcast_in_dim3A_9 {strides = array<i32>} : memref<1024xf32, #tpu.memory_space<vmem>>, vector<16xf32>,
    %swap3A_63 = arith.constant 208 : index
    %swap3A_64 = tpu.vector_load %arg9[%swap3A_63] {strides = array<i32>} : memref<1024xf32, #tpu.memory_space<vmem>>, vector<16xf32>,
    tpu.vector_store %arg9[%swap3A_63], %broadcast_in_dim3A_9 {strides = array<i32>} : memref<1024xf32, #tpu.memory_space<vmem>>, vector<16xf32>,
    %swap3A_65 = arith.constant 224 : index
    %swap3A_66 = tpu.vector_load %arg8[%swap3A_65] {strides = array<i32>} : memref<1024xf32, #tpu.memory_space<vmem>>, vector<16xf32>,
    tpu.vector_store %arg8[%swap3A_65], %broadcast_in_dim3A_9 {strides = array<i32>} : memref<1024xf32, #tpu.memory_space<vmem>>, vector<16xf32>,
    %swap3A_67 = arith.constant 224 : index
    %swap3A_68 = tpu.vector_load %arg9[%swap3A_67] {strides = array<i32>} : memref<1024xf32, #tpu.memory_space<vmem>>, vector<16xf32>,
    tpu.vector_store %arg9[%swap3A_67], %broadcast_in_dim3A_9 {strides = array<i32>} : memref<1024xf32, #tpu.memory_space<vmem>>, vector<16xf32>,
    %swap3A_69 = arith.constant 240 : index
    %swap3A_70 = tpu.vector_load %arg8[%swap3A_69] {strides = array<i32>} : memref<1024xf32, #tpu.memory_space<vmem>>, vector<16xf32>,
    tpu.vector_store %arg8[%swap3A_69], %broadcast_in_dim3A_9 {strides = array<i32>} : memref<1024xf32, #tpu.memory_space<vmem>>, vector<16xf32>,
    %swap3A_71 = arith.constant 240 : index
    %swap3A_72 = tpu.vector_load %arg9[%swap3A_71] {strides = array<i32>} : memref<1024xf32, #tpu.memory_space<vmem>>, vector<16xf32>,
    tpu.vector_store %arg9[%swap3A_71], %broadcast_in_dim3A_9 {strides = array<i32>} : memref<1024xf32, #tpu.memory_space<vmem>>, vector<16xf32>,
    %swap3A_73 = arith.constant 256 : index
    %swap3A_74 = tpu.vector_load %arg8[%swap3A_73] {strides = array<i32>} : memref<1024xf32, #tpu.memory_space<vmem>>, vector<16xf32>,
    tpu.vector_store %arg8[%swap3A_73], %broadcast_in_dim3A_9 {strides = array<i32>} : memref<1024xf32, #tpu.memory_space<vmem>>, vector<16xf32>,
    %swap3A_75 = arith.constant 256 : index
    %swap3A_76 = tpu.vector_load %arg9[%swap3A_75] {strides = array<i32>} : memref<1024xf32, #tpu.memory_space<vmem>>, vector<16xf32>,
    tpu.vector_store %arg9[%swap3A_75], %broadcast_in_dim3A_9 {strides = array<i32>} : memref<1024xf32, #tpu.memory_space<vmem>>, vector<16xf32>,
    %swap3A_77 = arith.constant 272 : index
    %swap3A_78 = tpu.vector_load %arg8[%swap3A_77] {strides = array<i32>} : memref<1024xf32, #tpu.memory_space<vmem>>, vector<16xf32>,
    tpu.vector_store %arg8[%swap3A_77], %broadcast_in_dim3A_9 {strides = array<i32>} : memref<1024xf32, #tpu.memory_space<vmem>>, vector<16xf32>,
    %swap3A_79 = arith.constant 272 : index
    %swap3A_80 = tpu.vector_load %arg9[%swap3A_79] {strides = array<i32>} : memref<1024xf32, #tpu.memory_space<vmem>>, vector<16xf32>,
    tpu.vector_store %arg9[%swap3A_79], %broadcast_in_dim3A_9 {strides = array<i32>} : memref<1024xf32, #tpu.memory_space<vmem>>, vector<16xf32>,
    %swap3A_81 = arith.constant 288 : index
    %swap3A_82 = tpu.vector_load %arg8[%swap3A_81] {strides = array<i32>} : memref<1024xf32, #tpu.memory_space<vmem>>, vector<16xf32>,
    tpu.vector_store %arg8[%swap3A_81], %broadcast_in_dim3A_9 {strides = array<i32>} : memref<1024xf32, #tpu.memory_space<vmem>>, vector<16xf32>,
    %swap3A_83 = arith.constant 288 : index
    %swap3A_84 = tpu.vector_load %arg9[%swap3A_83] {strides = array<i32>} : memref<1024xf32, #tpu.memory_space<vmem>>, vector<16xf32>,
    tpu.vector_store %arg9[%swap3A_83], %broadcast_in_dim3A_9 {strides = array<i32>} : memref<1024xf32, #tpu.memory_space<vmem>>, vector<16xf32>,
    %swap3A_85 = arith.constant 304 : index
    %swap3A_86 = tpu.vector_load %arg8[%swap3A_85] {strides = array<i32>} : memref<1024xf32, #tpu.memory_space<vmem>>, vector<16xf32>,
    tpu.vector_store %arg8[%swap3A_85], %broadcast_in_dim3A_9 {strides = array<i32>} : memref<1024xf32, #tpu.memory_space<vmem>>, vector<16xf32>,
    %swap3A_87 = arith.constant 304 : index
    %swap3A_88 = tpu.vector_load %arg9[%swap3A_87] {strides = array<i32>} : memref<1024xf32, #tpu.memory_space<vmem>>, vector<16xf32>,
    tpu.vector_store %arg9[%swap3A_87], %broadcast_in_dim3A_9 {strides = array<i32>} : memref<1024xf32, #tpu.memory_space<vmem>>, vector<16xf32>,
    %swap3A_89 = arith.constant 320 : index
    %swap3A_90 = tpu.vector_load %arg8[%swap3A_89] {strides = array<i32>} : memref<1024xf32, #tpu.memory_space<vmem>>, vector<16xf32>,
    tpu.vector_store %arg8[%swap3A_89], %broadcast_in_dim3A_9 {strides = array<i32>} : memref<1024xf32, #tpu.memory_space<vmem>>, vector<16xf32>,
    %swap3A_91 = arith.constant 320 : index
    %swap3A_92 = tpu.vector_load %arg9[%swap3A_91] {strides = array<i32>} : memref<1024xf32, #tpu.memory_space<vmem>>, vector<16xf32>,
    tpu.vector_store %arg9[%swap3A_91], %broadcast_in_dim3A_9 {strides = array<i32>} : memref<1024xf32, #tpu.memory_space<vmem>>, vector<16xf32>,
    %swap3A_93 = arith.constant 336 : index
    %swap3A_94 = tpu.vector_load %arg8[%swap3A_93] {strides = array<i32>} : memref<1024xf32, #tpu.memory_space<vmem>>, vector<16xf32>,
    tpu.vector_store %arg8[%swap3A_93], %broadcast_in_dim3A_9 {strides = array<i32>} : memref<1024xf32, #tpu.memory_space<vmem>>, vector<16xf32>,
    %swap3A_95 = arith.constant 336 : index
    %swap3A_96 = tpu.vector_load %arg9[%swap3A_95] {strides = array<i32>} : memref<1024xf32, #tpu.memory_space<vmem>>, vector<16xf32>,
    tpu.vector_store %arg9[%swap3A_95], %broadcast_in_dim3A_9 {strides = array<i32>} : memref<1024xf32, #tpu.memory_space<vmem>>, vector<16xf32>,
    %swap3A_97 = arith.constant 352 : index
    %swap3A_98 = tpu.vector_load %arg8[%swap3A_97] {strides = array<i32>} : memref<1024xf32, #tpu.memory_space<vmem>>, vector<16xf32>,
    tpu.vector_store %arg8[%swap3A_97], %broadcast_in_dim3A_9 {strides = array<i32>} : memref<1024xf32, #tpu.memory_space<vmem>>, vector<16xf32>,
    %swap3A_99 = arith.constant 352 : index
    %swap3A_100 = tpu.vector_load %arg9[%swap3A_99] {strides = array<i32>} : memref<1024xf32, #tpu.memory_space<vmem>>, vector<16xf32>,
    tpu.vector_store %arg9[%swap3A_99], %broadcast_in_dim3A_9 {strides = array<i32>} : memref<1024xf32, #tpu.memory_space<vmem>>, vector<16xf32>,
    %swap3A_101 = arith.constant 368 : index
    %swap3A_102 = tpu.vector_load %arg8[%swap3A_101] {strides = array<i32>} : memref<1024xf32, #tpu.memory_space<vmem>>, vector<16xf32>,
    tpu.vector_store %arg8[%swap3A_101], %broadcast_in_dim3A_9 {strides = array<i32>} : memref<1024xf32, #tpu.memory_space<vmem>>, vector<16xf32>,
    %swap3A_103 = arith.constant 368 : index
    %swap3A_104 = tpu.vector_load %arg9[%swap3A_103] {strides = array<i32>} : memref<1024xf32, #tpu.memory_space<vmem>>, vector<16xf32>,
    tpu.vector_store %arg9[%swap3A_103], %broadcast_in_dim3A_9 {strides = array<i32>} : memref<1024xf32, #tpu.memory_space<vmem>>, vector<16xf32>,
    %swap3A_105 = arith.constant 384 : index
    %swap3A_106 = tpu.vector_load %arg8[%swap3A_105] {strides = array<i32>} : memref<1024xf32, #tpu.memory_space<vmem>>, vector<16xf32>,
    tpu.vector_store %arg8[%swap3A_105], %broadcast_in_dim3A_9 {strides = array<i32>} : memref<1024xf32, #tpu.memory_space<vmem>>, vector<16xf32>,
    %swap3A_107 = arith.constant 384 : index
    %swap3A_108 = tpu.vector_load %arg9[%swap3A_107] {strides = array<i32>} : memref<1024xf32, #tpu.memory_space<vmem>>, vector<16xf32>,
    tpu.vector_store %arg9[%swap3A_107], %broadcast_in_dim3A_9 {strides = array<i32>} : memref<1024xf32, #tpu.memory_space<vmem>>, vector<16xf32>,
    %swap3A_109 = arith.constant 400 : index
    %swap3A_110 = tpu.vector_load %arg8[%swap3A_109] {strides = array<i32>} : memref<1024xf32, #tpu.memory_space<vmem>>, vector<16xf32>,
    tpu.vector_store %arg8[%swap3A_109], %broadcast_in_dim3A_9 {strides = array<i32>} : memref<1024xf32, #tpu.memory_space<vmem>>, vector<16xf32>,
    %swap3A_111 = arith.constant 400 : index
    %swap3A_112 = tpu.vector_load %arg9[%swap3A_111] {strides = array<i32>} : memref<1024xf32, #tpu.memory_space<vmem>>, vector<16xf32>,
    tpu.vector_store %arg9[%swap3A_111], %broadcast_in_dim3A_9 {strides = array<i32>} : memref<1024xf32, #tpu.memory_space<vmem>>, vector<16xf32>,
    %swap3A_113 = arith.constant 416 : index
    %swap3A_114 = tpu.vector_load %arg8[%swap3A_113] {strides = array<i32>} : memref<1024xf32, #tpu.memory_space<vmem>>, vector<16xf32>,
    tpu.vector_store %arg8[%swap3A_113], %broadcast_in_dim3A_9 {strides = array<i32>} : memref<1024xf32, #tpu.memory_space<vmem>>, vector<16xf32>,
    %swap3A_115 = arith.constant 416 : index
    %swap3A_116 = tpu.vector_load %arg9[%swap3A_115] {strides = array<i32>} : memref<1024xf32, #tpu.memory_space<vmem>>, vector<16xf32>,
    tpu.vector_store %arg9[%swap3A_115], %broadcast_in_dim3A_9 {strides = array<i32>} : memref<1024xf32, #tpu.memory_space<vmem>>, vector<16xf32>,
    %swap3A_117 = arith.constant 432 : index
    %swap3A_118 = tpu.vector_load %arg8[%swap3A_117] {strides = array<i32>} : memref<1024xf32, #tpu.memory_space<vmem>>, vector<16xf32>,
    tpu.vector_store %arg8[%swap3A_117], %broadcast_in_dim3A_9 {strides = array<i32>} : memref<1024xf32, #tpu.memory_space<vmem>>, vector<16xf32>,
    %swap3A_119 = arith.constant 432 : index
    %swap3A_120 = tpu.vector_load %arg9[%swap3A_119] {strides = array<i32>} : memref<1024xf32, #tpu.memory_space<vmem>>, vector<16xf32>,
    tpu.vector_store %arg9[%swap3A_119], %broadcast_in_dim3A_9 {strides = array<i32>} : memref<1024xf32, #tpu.memory_space<vmem>>, vector<16xf32>,
    %swap3A_121 = arith.constant 448 : index
    %swap3A_122 = tpu.vector_load %arg8[%swap3A_121] {strides = array<i32>} : memref<1024xf32, #tpu.memory_space<vmem>>, vector<16xf32>,
    tpu.vector_store %arg8[%swap3A_121], %broadcast_in_dim3A_9 {strides = array<i32>} : memref<1024xf32, #tpu.memory_space<vmem>>, vector<16xf32>,
    %swap3A_123 = arith.constant 448 : index
    %swap3A_124 = tpu.vector_load %arg9[%swap3A_123] {strides = array<i32>} : memref<1024xf32, #tpu.memory_space<vmem>>, vector<16xf32>,
    tpu.vector_store %arg9[%swap3A_123], %broadcast_in_dim3A_9 {strides = array<i32>} : memref<1024xf32, #tpu.memory_space<vmem>>, vector<16xf32>,
    %swap3A_125 = arith.constant 464 : index
    %swap3A_126 = tpu.vector_load %arg8[%swap3A_125] {strides = array<i32>} : memref<1024xf32, #tpu.memory_space<vmem>>, vector<16xf32>,
    tpu.vector_store %arg8[%swap3A_125], %broadcast_in_dim3A_9 {strides = array<i32>} : memref<1024xf32, #tpu.memory_space<vmem>>, vector<16xf32>,
    %swap3A_127 = arith.constant 464 : index
    %swap3A_128 = tpu.vector_load %arg9[%swap3A_127] {strides = array<i32>} : memref<1024xf32, #tpu.memory_space<vmem>>, vector<16xf32>,
    tpu.vector_store %arg9[%swap3A_127], %broadcast_in_dim3A_9 {strides = array<i32>} : memref<1024xf32, #tpu.memory_space<vmem>>, vector<16xf32>,
    %swap3A_129 = arith.constant 480 : index
    %swap3A_130 = tpu.vector_load %arg8[%swap3A_129] {strides = array<i32>} : memref<1024xf32, #tpu.memory_space<vmem>>, vector<16xf32>,
    tpu.vector_store %arg8[%swap3A_129], %broadcast_in_dim3A_9 {strides = array<i32>} : memref<1024xf32, #tpu.memory_space<vmem>>, vector<16xf32>,
    %swap3A_131 = arith.constant 480 : index
    %swap3A_132 = tpu.vector_load %arg9[%swap3A_131] {strides = array<i32>} : memref<1024xf32, #tpu.memory_space<vmem>>, vector<16xf32>,
    tpu.vector_store %arg9[%swap3A_131], %broadcast_in_dim3A_9 {strides = array<i32>} : memref<1024xf32, #tpu.memory_space<vmem>>, vector<16xf32>,
    %swap3A_133 = arith.constant 496 : index
    %swap3A_134 = tpu.vector_load %arg8[%swap3A_133] {strides = array<i32>} : memref<1024xf32, #tpu.memory_space<vmem>>, vector<16xf32>,
    tpu.vector_store %arg8[%swap3A_133], %broadcast_in_dim3A_9 {strides = array<i32>} : memref<1024xf32, #tpu.memory_space<vmem>>, vector<16xf32>,
    %swap3A_135 = arith.constant 496 : index
    %swap3A_136 = tpu.vector_load %arg9[%swap3A_135] {strides = array<i32>} : memref<1024xf32, #tpu.memory_space<vmem>>, vector<16xf32>,
    tpu.vector_store %arg9[%swap3A_135], %broadcast_in_dim3A_9 {strides = array<i32>} : memref<1024xf32, #tpu.memory_space<vmem>>, vector<16xf32>,
    %swap3A_137 = arith.constant 512 : index
    %swap3A_138 = tpu.vector_load %arg8[%swap3A_137] {strides = array<i32>} : memref<1024xf32, #tpu.memory_space<vmem>>, vector<16xf32>,
    tpu.vector_store %arg8[%swap3A_137], %broadcast_in_dim3A_9 {strides = array<i32>} : memref<1024xf32, #tpu.memory_space<vmem>>, vector<16xf32>,
    %swap3A_139 = arith.constant 512 : index
    %swap3A_140 = tpu.vector_load %arg9[%swap3A_139] {strides = array<i32>} : memref<1024xf32, #tpu.memory_space<vmem>>, vector<16xf32>,
    tpu.vector_store %arg9[%swap3A_139], %broadcast_in_dim3A_9 {strides = array<i32>} : memref<1024xf32, #tpu.memory_space<vmem>>, vector<16xf32>,
    %swap3A_141 = arith.constant 528 : index
    %swap3A_142 = tpu.vector_load %arg8[%swap3A_141] {strides = array<i32>} : memref<1024xf32, #tpu.memory_space<vmem>>, vector<16xf32>,
    tpu.vector_store %arg8[%swap3A_141], %broadcast_in_dim3A_9 {strides = array<i32>} : memref<1024xf32, #tpu.memory_space<vmem>>, vector<16xf32>,
    %swap3A_143 = arith.constant 528 : index
    %swap3A_144 = tpu.vector_load %arg9[%swap3A_143] {strides = array<i32>} : memref<1024xf32, #tpu.memory_space<vmem>>, vector<16xf32>,
    tpu.vector_store %arg9[%swap3A_143], %broadcast_in_dim3A_9 {strides = array<i32>} : memref<1024xf32, #tpu.memory_space<vmem>>, vector<16xf32>,
    %swap3A_145 = arith.constant 544 : index
    %swap3A_146 = tpu.vector_load %arg8[%swap3A_145] {strides = array<i32>} : memref<1024xf32, #tpu.memory_space<vmem>>, vector<16xf32>,
    tpu.vector_store %arg8[%swap3A_145], %broadcast_in_dim3A_9 {strides = array<i32>} : memref<1024xf32, #tpu.memory_space<vmem>>, vector<16xf32>,
    %swap3A_147 = arith.constant 544 : index
    %swap3A_148 = tpu.vector_load %arg9[%swap3A_147] {strides = array<i32>} : memref<1024xf32, #tpu.memory_space<vmem>>, vector<16xf32>,
    tpu.vector_store %arg9[%swap3A_147], %broadcast_in_dim3A_9 {strides = array<i32>} : memref<1024xf32, #tpu.memory_space<vmem>>, vector<16xf32>,
    %swap3A_149 = arith.constant 560 : index
    %swap3A_150 = tpu.vector_load %arg8[%swap3A_149] {strides = array<i32>} : memref<1024xf32, #tpu.memory_space<vmem>>, vector<16xf32>,
    tpu.vector_store %arg8[%swap3A_149], %broadcast_in_dim3A_9 {strides = array<i32>} : memref<1024xf32, #tpu.memory_space<vmem>>, vector<16xf32>,
    %swap3A_151 = arith.constant 560 : index
    %swap3A_152 = tpu.vector_load %arg9[%swap3A_151] {strides = array<i32>} : memref<1024xf32, #tpu.memory_space<vmem>>, vector<16xf32>,
    tpu.vector_store %arg9[%swap3A_151], %broadcast_in_dim3A_9 {strides = array<i32>} : memref<1024xf32, #tpu.memory_space<vmem>>, vector<16xf32>,
    %swap3A_153 = arith.constant 576 : index
    %swap3A_154 = tpu.vector_load %arg8[%swap3A_153] {strides = array<i32>} : memref<1024xf32, #tpu.memory_space<vmem>>, vector<16xf32>,
    tpu.vector_store %arg8[%swap3A_153], %broadcast_in_dim3A_9 {strides = array<i32>} : memref<1024xf32, #tpu.memory_space<vmem>>, vector<16xf32>,
    %swap3A_155 = arith.constant 576 : index
    %swap3A_156 = tpu.vector_load %arg9[%swap3A_155] {strides = array<i32>} : memref<1024xf32, #tpu.memory_space<vmem>>, vector<16xf32>,
    tpu.vector_store %arg9[%swap3A_155], %broadcast_in_dim3A_9 {strides = array<i32>} : memref<1024xf32, #tpu.memory_space<vmem>>, vector<16xf32>,
    %swap3A_157 = arith.constant 592 : index
    %swap3A_158 = tpu.vector_load %arg8[%swap3A_157] {strides = array<i32>} : memref<1024xf32, #tpu.memory_space<vmem>>, vector<16xf32>,
    tpu.vector_store %arg8[%swap3A_157], %broadcast_in_dim3A_9 {strides = array<i32>} : memref<1024xf32, #tpu.memory_space<vmem>>, vector<16xf32>,
    %swap3A_159 = arith.constant 592 : index
    %swap3A_160 = tpu.vector_load %arg9[%swap3A_159] {strides = array<i32>} : memref<1024xf32, #tpu.memory_space<vmem>>, vector<16xf32>,
    tpu.vector_store %arg9[%swap3A_159], %broadcast_in_dim3A_9 {strides = array<i32>} : memref<1024xf32, #tpu.memory_space<vmem>>, vector<16xf32>,
    %swap3A_161 = arith.constant 608 : index
    %swap3A_162 = tpu.vector_load %arg8[%swap3A_161] {strides = array<i32>} : memref<1024xf32, #tpu.memory_space<vmem>>, vector<16xf32>,
    tpu.vector_store %arg8[%swap3A_161], %broadcast_in_dim3A_9 {strides = array<i32>} : memref<1024xf32, #tpu.memory_space<vmem>>, vector<16xf32>,
    %swap3A_163 = arith.constant 608 : index
    %swap3A_164 = tpu.vector_load %arg9[%swap3A_163] {strides = array<i32>} : memref<1024xf32, #tpu.memory_space<vmem>>, vector<16xf32>,
    tpu.vector_store %arg9[%swap3A_163], %broadcast_in_dim3A_9 {strides = array<i32>} : memref<1024xf32, #tpu.memory_space<vmem>>, vector<16xf32>,
    %swap3A_165 = arith.constant 624 : index
    %swap3A_166 = tpu.vector_load %arg8[%swap3A_165] {strides = array<i32>} : memref<1024xf32, #tpu.memory_space<vmem>>, vector<16xf32>,
    tpu.vector_store %arg8[%swap3A_165], %broadcast_in_dim3A_9 {strides = array<i32>} : memref<1024xf32, #tpu.memory_space<vmem>>, vector<16xf32>,
    %swap3A_167 = arith.constant 624 : index
    %swap3A_168 = tpu.vector_load %arg9[%swap3A_167] {strides = array<i32>} : memref<1024xf32, #tpu.memory_space<vmem>>, vector<16xf32>,
    tpu.vector_store %arg9[%swap3A_167], %broadcast_in_dim3A_9 {strides = array<i32>} : memref<1024xf32, #tpu.memory_space<vmem>>, vector<16xf32>,
    %swap3A_169 = arith.constant 640 : index
    %swap3A_170 = tpu.vector_load %arg8[%swap3A_169] {strides = array<i32>} : memref<1024xf32, #tpu.memory_space<vmem>>, vector<16xf32>,
    tpu.vector_store %arg8[%swap3A_169], %broadcast_in_dim3A_9 {strides = array<i32>} : memref<1024xf32, #tpu.memory_space<vmem>>, vector<16xf32>,
    %swap3A_171 = arith.constant 640 : index
    %swap3A_172 = tpu.vector_load %arg9[%swap3A_171] {strides = array<i32>} : memref<1024xf32, #tpu.memory_space<vmem>>, vector<16xf32>,
    tpu.vector_store %arg9[%swap3A_171], %broadcast_in_dim3A_9 {strides = array<i32>} : memref<1024xf32, #tpu.memory_space<vmem>>, vector<16xf32>,
    %swap3A_173 = arith.constant 656 : index
    %swap3A_174 = tpu.vector_load %arg8[%swap3A_173] {strides = array<i32>} : memref<1024xf32, #tpu.memory_space<vmem>>, vector<16xf32>,
    tpu.vector_store %arg8[%swap3A_173], %broadcast_in_dim3A_9 {strides = array<i32>} : memref<1024xf32, #tpu.memory_space<vmem>>, vector<16xf32>,
    %swap3A_175 = arith.constant 656 : index
    %swap3A_176 = tpu.vector_load %arg9[%swap3A_175] {strides = array<i32>} : memref<1024xf32, #tpu.memory_space<vmem>>, vector<16xf32>,
    tpu.vector_store %arg9[%swap3A_175], %broadcast_in_dim3A_9 {strides = array<i32>} : memref<1024xf32, #tpu.memory_space<vmem>>, vector<16xf32>,
    %swap3A_177 = arith.constant 672 : index
    %swap3A_178 = tpu.vector_load %arg8[%swap3A_177] {strides = array<i32>} : memref<1024xf32, #tpu.memory_space<vmem>>, vector<16xf32>,
    tpu.vector_store %arg8[%swap3A_177], %broadcast_in_dim3A_9 {strides = array<i32>} : memref<1024xf32, #tpu.memory_space<vmem>>, vector<16xf32>,
    %swap3A_179 = arith.constant 672 : index
    %swap3A_180 = tpu.vector_load %arg9[%swap3A_179] {strides = array<i32>} : memref<1024xf32, #tpu.memory_space<vmem>>, vector<16xf32>,
    tpu.vector_store %arg9[%swap3A_179], %broadcast_in_dim3A_9 {strides = array<i32>} : memref<1024xf32, #tpu.memory_space<vmem>>, vector<16xf32>,
    %swap3A_181 = arith.constant 688 : index
    %swap3A_182 = tpu.vector_load %arg8[%swap3A_181] {strides = array<i32>} : memref<1024xf32, #tpu.memory_space<vmem>>, vector<16xf32>,
    tpu.vector_store %arg8[%swap3A_181], %broadcast_in_dim3A_9 {strides = array<i32>} : memref<1024xf32, #tpu.memory_space<vmem>>, vector<16xf32>,
    %swap3A_183 = arith.constant 688 : index
    %swap3A_184 = tpu.vector_load %arg9[%swap3A_183] {strides = array<i32>} : memref<1024xf32, #tpu.memory_space<vmem>>, vector<16xf32>,
    tpu.vector_store %arg9[%swap3A_183], %broadcast_in_dim3A_9 {strides = array<i32>} : memref<1024xf32, #tpu.memory_space<vmem>>, vector<16xf32>,
    %swap3A_185 = arith.constant 704 : index
    %swap3A_186 = tpu.vector_load %arg8[%swap3A_185] {strides = array<i32>} : memref<1024xf32, #tpu.memory_space<vmem>>, vector<16xf32>,
    tpu.vector_store %arg8[%swap3A_185], %broadcast_in_dim3A_9 {strides = array<i32>} : memref<1024xf32, #tpu.memory_space<vmem>>, vector<16xf32>,
    %swap3A_187 = arith.constant 704 : index
    %swap3A_188 = tpu.vector_load %arg9[%swap3A_187] {strides = array<i32>} : memref<1024xf32, #tpu.memory_space<vmem>>, vector<16xf32>,
    tpu.vector_store %arg9[%swap3A_187], %broadcast_in_dim3A_9 {strides = array<i32>} : memref<1024xf32, #tpu.memory_space<vmem>>, vector<16xf32>,
    %swap3A_189 = arith.constant 720 : index
    %swap3A_190 = tpu.vector_load %arg8[%swap3A_189] {strides = array<i32>} : memref<1024xf32, #tpu.memory_space<vmem>>, vector<16xf32>,
    tpu.vector_store %arg8[%swap3A_189], %broadcast_in_dim3A_9 {strides = array<i32>} : memref<1024xf32, #tpu.memory_space<vmem>>, vector<16xf32>,
    %swap3A_191 = arith.constant 720 : index
    %swap3A_192 = tpu.vector_load %arg9[%swap3A_191] {strides = array<i32>} : memref<1024xf32, #tpu.memory_space<vmem>>, vector<16xf32>,
    tpu.vector_store %arg9[%swap3A_191], %broadcast_in_dim3A_9 {strides = array<i32>} : memref<1024xf32, #tpu.memory_space<vmem>>, vector<16xf32>,
    %swap3A_193 = arith.constant 736 : index
    %swap3A_194 = tpu.vector_load %arg8[%swap3A_193] {strides = array<i32>} : memref<1024xf32, #tpu.memory_space<vmem>>, vector<16xf32>,
    tpu.vector_store %arg8[%swap3A_193], %broadcast_in_dim3A_9 {strides = array<i32>} : memref<1024xf32, #tpu.memory_space<vmem>>, vector<16xf32>,
    %swap3A_195 = arith.constant 736 : index
    %swap3A_196 = tpu.vector_load %arg9[%swap3A_195] {strides = array<i32>} : memref<1024xf32, #tpu.memory_space<vmem>>, vector<16xf32>,
    tpu.vector_store %arg9[%swap3A_195], %broadcast_in_dim3A_9 {strides = array<i32>} : memref<1024xf32, #tpu.memory_space<vmem>>, vector<16xf32>,
    %swap3A_197 = arith.constant 752 : index
    %swap3A_198 = tpu.vector_load %arg8[%swap3A_197] {strides = array<i32>} : memref<1024xf32, #tpu.memory_space<vmem>>, vector<16xf32>,
    tpu.vector_store %arg8[%swap3A_197], %broadcast_in_dim3A_9 {strides = array<i32>} : memref<1024xf32, #tpu.memory_space<vmem>>, vector<16xf32>,
    %swap3A_199 = arith.constant 752 : index
    %swap3A_200 = tpu.vector_load %arg9[%swap3A_199] {strides = array<i32>} : memref<1024xf32, #tpu.memory_space<vmem>>, vector<16xf32>,
    tpu.vector_store %arg9[%swap3A_199], %broadcast_in_dim3A_9 {strides = array<i32>} : memref<1024xf32, #tpu.memory_space<vmem>>, vector<16xf32>,
    %swap3A_201 = arith.constant 768 : index
    %swap3A_202 = tpu.vector_load %arg8[%swap3A_201] {strides = array<i32>} : memref<1024xf32, #tpu.memory_space<vmem>>, vector<16xf32>,
    tpu.vector_store %arg8[%swap3A_201], %broadcast_in_dim3A_9 {strides = array<i32>} : memref<1024xf32, #tpu.memory_space<vmem>>, vector<16xf32>,
    %swap3A_203 = arith.constant 768 : index
    %swap3A_204 = tpu.vector_load %arg9[%swap3A_203] {strides = array<i32>} : memref<1024xf32, #tpu.memory_space<vmem>>, vector<16xf32>,
    tpu.vector_store %arg9[%swap3A_203], %broadcast_in_dim3A_9 {strides = array<i32>} : memref<1024xf32, #tpu.memory_space<vmem>>, vector<16xf32>,
    %swap3A_205 = arith.constant 784 : index
    %swap3A_206 = tpu.vector_load %arg8[%swap3A_205] {strides = array<i32>} : memref<1024xf32, #tpu.memory_space<vmem>>, vector<16xf32>,
    tpu.vector_store %arg8[%swap3A_205], %broadcast_in_dim3A_9 {strides = array<i32>} : memref<1024xf32, #tpu.memory_space<vmem>>, vector<16xf32>,
    %swap3A_207 = arith.constant 784 : index
    %swap3A_208 = tpu.vector_load %arg9[%swap3A_207] {strides = array<i32>} : memref<1024xf32, #tpu.memory_space<vmem>>, vector<16xf32>,
    tpu.vector_store %arg9[%swap3A_207], %broadcast_in_dim3A_9 {strides = array<i32>} : memref<1024xf32, #tpu.memory_space<vmem>>, vector<16xf32>,
    %swap3A_209 = arith.constant 800 : index
    %swap3A_210 = tpu.vector_load %arg8[%swap3A_209] {strides = array<i32>} : memref<1024xf32, #tpu.memory_space<vmem>>, vector<16xf32>,
    tpu.vector_store %arg8[%swap3A_209], %broadcast_in_dim3A_9 {strides = array<i32>} : memref<1024xf32, #tpu.memory_space<vmem>>, vector<16xf32>,
    %swap3A_211 = arith.constant 800 : index
    %swap3A_212 = tpu.vector_load %arg9[%swap3A_211] {strides = array<i32>} : memref<1024xf32, #tpu.memory_space<vmem>>, vector<16xf32>,
    tpu.vector_store %arg9[%swap3A_211], %broadcast_in_dim3A_9 {strides = array<i32>} : memref<1024xf32, #tpu.memory_space<vmem>>, vector<16xf32>,
    %swap3A_213 = arith.constant 816 : index
    %swap3A_214 = tpu.vector_load %arg8[%swap3A_213] {strides = array<i32>} : memref<1024xf32, #tpu.memory_space<vmem>>, vector<16xf32>,
    tpu.vector_store %arg8[%swap3A_213], %broadcast_in_dim3A_9 {strides = array<i32>} : memref<1024xf32, #tpu.memory_space<vmem>>, vector<16xf32>,
    %swap3A_215 = arith.constant 816 : index
    %swap3A_216 = tpu.vector_load %arg9[%swap3A_215] {strides = array<i32>} : memref<1024xf32, #tpu.memory_space<vmem>>, vector<16xf32>,
    tpu.vector_store %arg9[%swap3A_215], %broadcast_in_dim3A_9 {strides = array<i32>} : memref<1024xf32, #tpu.memory_space<vmem>>, vector<16xf32>,
    %swap3A_217 = arith.constant 832 : index
    %swap3A_218 = tpu.vector_load %arg8[%swap3A_217] {strides = array<i32>} : memref<1024xf32, #tpu.memory_space<vmem>>, vector<16xf32>,
    tpu.vector_store %arg8[%swap3A_217], %broadcast_in_dim3A_9 {strides = array<i32>} : memref<1024xf32, #tpu.memory_space<vmem>>, vector<16xf32>,
    %swap3A_219 = arith.constant 832 : index
    %swap3A_220 = tpu.vector_load %arg9[%swap3A_219] {strides = array<i32>} : memref<1024xf32, #tpu.memory_space<vmem>>, vector<16xf32>,
    tpu.vector_store %arg9[%swap3A_219], %broadcast_in_dim3A_9 {strides = array<i32>} : memref<1024xf32, #tpu.memory_space<vmem>>, vector<16xf32>,
    %swap3A_221 = arith.constant 848 : index
    %swap3A_222 = tpu.vector_load %arg8[%swap3A_221] {strides = array<i32>} : memref<1024xf32, #tpu.memory_space<vmem>>, vector<16xf32>,
    tpu.vector_store %arg8[%swap3A_221], %broadcast_in_dim3A_9 {strides = array<i32>} : memref<1024xf32, #tpu.memory_space<vmem>>, vector<16xf32>,
    %swap3A_223 = arith.constant 848 : index
    %swap3A_224 = tpu.vector_load %arg9[%swap3A_223] {strides = array<i32>} : memref<1024xf32, #tpu.memory_space<vmem>>, vector<16xf32>,
    tpu.vector_store %arg9[%swap3A_223], %broadcast_in_dim3A_9 {strides = array<i32>} : memref<1024xf32, #tpu.memory_space<vmem>>, vector<16xf32>,
    %swap3A_225 = arith.constant 864 : index
    %swap3A_226 = tpu.vector_load %arg8[%swap3A_225] {strides = array<i32>} : memref<1024xf32, #tpu.memory_space<vmem>>, vector<16xf32>,
    tpu.vector_store %arg8[%swap3A_225], %broadcast_in_dim3A_9 {strides = array<i32>} : memref<1024xf32, #tpu.memory_space<vmem>>, vector<16xf32>,
    %swap3A_227 = arith.constant 864 : index
    %swap3A_228 = tpu.vector_load %arg9[%swap3A_227] {strides = array<i32>} : memref<1024xf32, #tpu.memory_space<vmem>>, vector<16xf32>,
    tpu.vector_store %arg9[%swap3A_227], %broadcast_in_dim3A_9 {strides = array<i32>} : memref<1024xf32, #tpu.memory_space<vmem>>, vector<16xf32>,
    %swap3A_229 = arith.constant 880 : index
    %swap3A_230 = tpu.vector_load %arg8[%swap3A_229] {strides = array<i32>} : memref<1024xf32, #tpu.memory_space<vmem>>, vector<16xf32>,
    tpu.vector_store %arg8[%swap3A_229], %broadcast_in_dim3A_9 {strides = array<i32>} : memref<1024xf32, #tpu.memory_space<vmem>>, vector<16xf32>,
    %swap3A_231 = arith.constant 880 : index
    %swap3A_232 = tpu.vector_load %arg9[%swap3A_231] {strides = array<i32>} : memref<1024xf32, #tpu.memory_space<vmem>>, vector<16xf32>,
    tpu.vector_store %arg9[%swap3A_231], %broadcast_in_dim3A_9 {strides = array<i32>} : memref<1024xf32, #tpu.memory_space<vmem>>, vector<16xf32>,
    %swap3A_233 = arith.constant 896 : index
    %swap3A_234 = tpu.vector_load %arg8[%swap3A_233] {strides = array<i32>} : memref<1024xf32, #tpu.memory_space<vmem>>, vector<16xf32>,
    tpu.vector_store %arg8[%swap3A_233], %broadcast_in_dim3A_9 {strides = array<i32>} : memref<1024xf32, #tpu.memory_space<vmem>>, vector<16xf32>,
    %swap3A_235 = arith.constant 896 : index
    %swap3A_236 = tpu.vector_load %arg9[%swap3A_235] {strides = array<i32>} : memref<1024xf32, #tpu.memory_space<vmem>>, vector<16xf32>,
    tpu.vector_store %arg9[%swap3A_235], %broadcast_in_dim3A_9 {strides = array<i32>} : memref<1024xf32, #tpu.memory_space<vmem>>, vector<16xf32>,
    %swap3A_237 = arith.constant 912 : index
    %swap3A_238 = tpu.vector_load %arg8[%swap3A_237] {strides = array<i32>} : memref<1024xf32, #tpu.memory_space<vmem>>, vector<16xf32>,
    tpu.vector_store %arg8[%swap3A_237], %broadcast_in_dim3A_9 {strides = array<i32>} : memref<1024xf32, #tpu.memory_space<vmem>>, vector<16xf32>,
    %swap3A_239 = arith.constant 912 : index
    %swap3A_240 = tpu.vector_load %arg9[%swap3A_239] {strides = array<i32>} : memref<1024xf32, #tpu.memory_space<vmem>>, vector<16xf32>,
    tpu.vector_store %arg9[%swap3A_239], %broadcast_in_dim3A_9 {strides = array<i32>} : memref<1024xf32, #tpu.memory_space<vmem>>, vector<16xf32>,
    %swap3A_241 = arith.constant 928 : index
    %swap3A_242 = tpu.vector_load %arg8[%swap3A_241] {strides = array<i32>} : memref<1024xf32, #tpu.memory_space<vmem>>, vector<16xf32>,
    tpu.vector_store %arg8[%swap3A_241], %broadcast_in_dim3A_9 {strides = array<i32>} : memref<1024xf32, #tpu.memory_space<vmem>>, vector<16xf32>,
    %swap3A_243 = arith.constant 928 : index
    %swap3A_244 = tpu.vector_load %arg9[%swap3A_243] {strides = array<i32>} : memref<1024xf32, #tpu.memory_space<vmem>>, vector<16xf32>,
    tpu.vector_store %arg9[%swap3A_243], %broadcast_in_dim3A_9 {strides = array<i32>} : memref<1024xf32, #tpu.memory_space<vmem>>, vector<16xf32>,
    %swap3A_245 = arith.constant 944 : index
    %swap3A_246 = tpu.vector_load %arg8[%swap3A_245] {strides = array<i32>} : memref<1024xf32, #tpu.memory_space<vmem>>, vector<16xf32>,
    tpu.vector_store %arg8[%swap3A_245], %broadcast_in_dim3A_9 {strides = array<i32>} : memref<1024xf32, #tpu.memory_space<vmem>>, vector<16xf32>,
    %swap3A_247 = arith.constant 944 : index
    %swap3A_248 = tpu.vector_load %arg9[%swap3A_247] {strides = array<i32>} : memref<1024xf32, #tpu.memory_space<vmem>>, vector<16xf32>,
    tpu.vector_store %arg9[%swap3A_247], %broadcast_in_dim3A_9 {strides = array<i32>} : memref<1024xf32, #tpu.memory_space<vmem>>, vector<16xf32>,
    %swap3A_249 = arith.constant 960 : index
    %swap3A_250 = tpu.vector_load %arg8[%swap3A_249] {strides = array<i32>} : memref<1024xf32, #tpu.memory_space<vmem>>, vector<16xf32>,
    tpu.vector_store %arg8[%swap3A_249], %broadcast_in_dim3A_9 {strides = array<i32>} : memref<1024xf32, #tpu.memory_space<vmem>>, vector<16xf32>,
    %swap3A_251 = arith.constant 960 : index
    %swap3A_252 = tpu.vector_load %arg9[%swap3A_251] {strides = array<i32>} : memref<1024xf32, #tpu.memory_space<vmem>>, vector<16xf32>,
    tpu.vector_store %arg9[%swap3A_251], %broadcast_in_dim3A_9 {strides = array<i32>} : memref<1024xf32, #tpu.memory_space<vmem>>, vector<16xf32>,
    %swap3A_253 = arith.constant 976 : index
    %swap3A_254 = tpu.vector_load %arg8[%swap3A_253] {strides = array<i32>} : memref<1024xf32, #tpu.memory_space<vmem>>, vector<16xf32>,
    tpu.vector_store %arg8[%swap3A_253], %broadcast_in_dim3A_9 {strides = array<i32>} : memref<1024xf32, #tpu.memory_space<vmem>>, vector<16xf32>,
    %swap3A_255 = arith.constant 976 : index
    %swap3A_256 = tpu.vector_load %arg9[%swap3A_255] {strides = array<i32>} : memref<1024xf32, #tpu.memory_space<vmem>>, vector<16xf32>,
    tpu.vector_store %arg9[%swap3A_255], %broadcast_in_dim3A_9 {strides = array<i32>} : memref<1024xf32, #tpu.memory_space<vmem>>, vector<16xf32>,
    %swap3A_257 = arith.constant 992 : index
    %swap3A_258 = tpu.vector_load %arg8[%swap3A_257] {strides = array<i32>} : memref<1024xf32, #tpu.memory_space<vmem>>, vector<16xf32>,
    tpu.vector_store %arg8[%swap3A_257], %broadcast_in_dim3A_9 {strides = array<i32>} : memref<1024xf32, #tpu.memory_space<vmem>>, vector<16xf32>,
    %swap3A_259 = arith.constant 992 : index
    %swap3A_260 = tpu.vector_load %arg9[%swap3A_259] {strides = array<i32>} : memref<1024xf32, #tpu.memory_space<vmem>>, vector<16xf32>,
    tpu.vector_store %arg9[%swap3A_259], %broadcast_in_dim3A_9 {strides = array<i32>} : memref<1024xf32, #tpu.memory_space<vmem>>, vector<16xf32>,
    %swap3A_261 = arith.constant 1008 : index
    %swap3A_262 = tpu.vector_load %arg8[%swap3A_261] {strides = array<i32>} : memref<1024xf32, #tpu.memory_space<vmem>>, vector<16xf32>,
    tpu.vector_store %arg8[%swap3A_261], %broadcast_in_dim3A_9 {strides = array<i32>} : memref<1024xf32, #tpu.memory_space<vmem>>, vector<16xf32>,
    %swap3A_263 = arith.constant 1008 : index
    %swap3A_264 = tpu.vector_load %arg9[%swap3A_263] {strides = array<i32>} : memref<1024xf32, #tpu.memory_space<vmem>>, vector<16xf32>,
    tpu.vector_store %arg9[%swap3A_263], %broadcast_in_dim3A_9 {strides = array<i32>} : memref<1024xf32, #tpu.memory_space<vmem>>, vector<16xf32>,
    %iota3A = tpu.iota {dimensions = array<i32: 0>} : vector<16xi32>
    %broadcast_in_dim3A_265 = arith.constant 1.000000e+00 : f32
    %broadcast_in_dim3A_266 = vector.broadcast %broadcast_in_dim3A_265 : f32 to vector<16xf32>
    %add3A_267 = vector.broadcast %mul3A_2 : i32 to vector<16xi32>
    %add3A_268 = arith.addi %add3A_267, %iota3A : vector<16xi32>
    %scan3A = arith.constant 0 : i32
    %scan3A_269 = arith.constant 1984 : i32
    %scan3A_270 = arith.addi %scan3A, %scan3A_269 : i32
    %scan3A_271 = arith.constant 1 : i32
    %scan3A_272 = scf.for %scan3A_274 = %scan3A to %scan3A_270 step %scan3A_271 iter_args(%scan3A_275 = %add3A_268) -> (vector<16xi32>)  : i32 {
      %mul3A_276 = arith.constant 16 : i32
      %mul3A_277 = arith.muli %scan3A_274, %mul3A_276 : i32
      %get3A = arith.index_cast %mul3A_277 : i32 to index
      %get3A_278 = tpu.vector_load %arg6[%get3A] {strides = array<i32>} : memref<31744xf32, #tpu.memory_space<vmem>>, vector<16xf32>,
      %mul3A_279 = arith.constant 16 : i32
      %mul3A_280 = arith.muli %scan3A_274, %mul3A_279 : i32
      %get3A_281 = arith.index_cast %mul3A_280 : i32 to index
      %get3A_282 = tpu.vector_load %arg7[%get3A_281] {strides = array<i32>} : memref<31744xi32, #tpu.memory_space<vmem>>, vector<16xi32>,
      %bitcast_convert_type3A = tpu.bitcast %get3A_278 : vector<16xf32> -> vector<16xi32>
      %and3A = arith.constant 127 : i32
      %and3A_283 = vector.broadcast %and3A : i32 to vector<16xi32>
      %and3A_284 = arith.andi %bitcast_convert_type3A, %and3A_283 : vector<16xi32>
      %div3A = arith.constant 1.000000e+00 : f32
      %div3A_285 = vector.broadcast %div3A : f32 to vector<16xf32>
      %div3A_286 = arith.divf %div3A_285, %get3A_278 : vector<16xf32>
      %mul3A_287 = arith.constant 2.000000e+01 : f32
      %mul3A_288 = vector.broadcast %mul3A_287 : f32 to vector<16xf32>
      %mul3A_289 = arith.mulf %div3A_286, %mul3A_288 : vector<16xf32>
      %convert_element_type3A_290 = arith.fptosi %mul3A_289 : vector<16xf32> to vector<16xi32>
      %max3A = arith.constant 0 : i32
      %max3A_291 = vector.broadcast %max3A : i32 to vector<16xi32>
      %max3A_292 = arith.maxsi %convert_element_type3A_290, %max3A_291 : vector<16xi32>
      %min3A = arith.constant 19 : i32
      %min3A_293 = vector.broadcast %min3A : i32 to vector<16xi32>
      %min3A_294 = arith.minsi %max3A_292, %min3A_293 : vector<16xi32>
      %eq3A_295 = arith.cmpi eq, %and3A_284, %get3A_282 : vector<16xi32>
      %jit3A = arith.constant 512 : i32
      %jit3A_296 = arith.constant 0 : i32
      %broadcast_in_dim3A_297 = vector.broadcast %jit3A : i32 to vector<16xi32>
      %broadcast_in_dim3A_298 = vector.broadcast %jit3A_296 : i32 to vector<16xi32>
      %select_n3A = arith.select %eq3A_295, %broadcast_in_dim3A_297, %broadcast_in_dim3A_298 : vector<16xi1>, vector<16xi32>
      %mul3A_299 = arith.constant 16 : i32
      %mul3A_300 = vector.broadcast %mul3A_299 : i32 to vector<16xi32>
      %mul3A_301 = arith.muli %min3A_294, %mul3A_300 : vector<16xi32>
      %add3A_302 = arith.addi %select_n3A, %mul3A_301 : vector<16xi32>
      %add3A_303 = arith.addi %add3A_302, %iota3A : vector<16xi32>
      %lt3A_304 = arith.constant 1000000 : i32
      %lt3A_305 = vector.broadcast %lt3A_304 : i32 to vector<16xi32>
      %lt3A_306 = arith.cmpi slt, %scan3A_275, %lt3A_305 : vector<16xi32>
      tpu.vector_store_idx %arg8[%add3A_303], %broadcast_in_dim3A_266 masked %lt3A_306 {add = true} : memref<1024xf32, #tpu.memory_space<vmem>>[vector<16xi32>], vector<16xf32>, vector<16xi1>
      tpu.vector_store_idx %arg9[%add3A_303], %div3A_286 masked %lt3A_306 {add = true} : memref<1024xf32, #tpu.memory_space<vmem>>[vector<16xi32>], vector<16xf32>, vector<16xi1>
      %add3A_307 = arith.constant 16 : i32
      %add3A_308 = vector.broadcast %add3A_307 : i32 to vector<16xi32>
      %add3A_309 = arith.addi %scan3A_275, %add3A_308 : vector<16xi32>
      scf.yield %add3A_309 : vector<16xi32>
    }
    %scan3A_273 = arith.constant 1984 : i32
    "tpu.region"() ({
      %run_scoped3A = tpu.sem_alloc : memref<!tpu.dma_semaphore, #tpu.memory_space<semaphore_mem>>
      %dma_start3A = arith.constant 0 : i32
      %dma_start3A_274 = tpu.memref_slice %arg4[%add3A, %dma_start3A] : memref<32x1024xf32, #tpu.memory_space<hbm>> -> memref<1x1024xf32, #tpu.memory_space<hbm>>
      %dma_start3A_275 = tpu.memref_squeeze %dma_start3A_274 : memref<1x1024xf32, #tpu.memory_space<hbm>> -> memref<1024xf32, #tpu.memory_space<hbm>>
      %dma_start3A_276 = arith.constant 0 : i32
      %dma_start3A_277 = tpu.memref_slice %arg4[%add3A, %dma_start3A_276] : memref<32x1024xf32, #tpu.memory_space<hbm>> -> memref<1x1024xf32, #tpu.memory_space<hbm>>
      %dma_start3A_278 = tpu.memref_squeeze %dma_start3A_277 : memref<1x1024xf32, #tpu.memory_space<hbm>> -> memref<1024xf32, #tpu.memory_space<hbm>>
      tpu.enqueue_dma source(%arg8 : memref<1024xf32, #tpu.memory_space<vmem>>) target(%dma_start3A_278 : memref<1024xf32, #tpu.memory_space<hbm>>) target_semaphore(%run_scoped3A : memref<!tpu.dma_semaphore, #tpu.memory_space<semaphore_mem>>)
      %dma_wait3A = arith.constant 0 : i32
      %dma_wait3A_279 = tpu.memref_slice %arg4[%add3A, %dma_wait3A] : memref<32x1024xf32, #tpu.memory_space<hbm>> -> memref<1x1024xf32, #tpu.memory_space<hbm>>
      %dma_wait3A_280 = tpu.memref_squeeze %dma_wait3A_279 : memref<1x1024xf32, #tpu.memory_space<hbm>> -> memref<1024xf32, #tpu.memory_space<hbm>>
      %dma_wait3A_281 = arith.constant 0 : i32
      %dma_wait3A_282 = tpu.memref_slice %arg4[%add3A, %dma_wait3A_281] : memref<32x1024xf32, #tpu.memory_space<hbm>> -> memref<1x1024xf32, #tpu.memory_space<hbm>>
      %dma_wait3A_283 = tpu.memref_squeeze %dma_wait3A_282 : memref<1x1024xf32, #tpu.memory_space<hbm>> -> memref<1024xf32, #tpu.memory_space<hbm>>
      tpu.wait_dma2 semaphore(%run_scoped3A : memref<!tpu.dma_semaphore, #tpu.memory_space<semaphore_mem>>) src(%arg8 : memref<1024xf32, #tpu.memory_space<vmem>>) dst(%dma_wait3A_283 : memref<1024xf32, #tpu.memory_space<hbm>>)
      tpu.yield
    }) : () -> ()
    "tpu.region"() ({
      %run_scoped3A = tpu.sem_alloc : memref<!tpu.dma_semaphore, #tpu.memory_space<semaphore_mem>>
      %dma_start3A = arith.constant 0 : i32
      %dma_start3A_274 = tpu.memref_slice %arg5[%add3A, %dma_start3A] : memref<32x1024xf32, #tpu.memory_space<hbm>> -> memref<1x1024xf32, #tpu.memory_space<hbm>>
      %dma_start3A_275 = tpu.memref_squeeze %dma_start3A_274 : memref<1x1024xf32, #tpu.memory_space<hbm>> -> memref<1024xf32, #tpu.memory_space<hbm>>
      %dma_start3A_276 = arith.constant 0 : i32
      %dma_start3A_277 = tpu.memref_slice %arg5[%add3A, %dma_start3A_276] : memref<32x1024xf32, #tpu.memory_space<hbm>> -> memref<1x1024xf32, #tpu.memory_space<hbm>>
      %dma_start3A_278 = tpu.memref_squeeze %dma_start3A_277 : memref<1x1024xf32, #tpu.memory_space<hbm>> -> memref<1024xf32, #tpu.memory_space<hbm>>
      tpu.enqueue_dma source(%arg9 : memref<1024xf32, #tpu.memory_space<vmem>>) target(%dma_start3A_278 : memref<1024xf32, #tpu.memory_space<hbm>>) target_semaphore(%run_scoped3A : memref<!tpu.dma_semaphore, #tpu.memory_space<semaphore_mem>>)
      %dma_wait3A = arith.constant 0 : i32
      %dma_wait3A_279 = tpu.memref_slice %arg5[%add3A, %dma_wait3A] : memref<32x1024xf32, #tpu.memory_space<hbm>> -> memref<1x1024xf32, #tpu.memory_space<hbm>>
      %dma_wait3A_280 = tpu.memref_squeeze %dma_wait3A_279 : memref<1x1024xf32, #tpu.memory_space<hbm>> -> memref<1024xf32, #tpu.memory_space<hbm>>
      %dma_wait3A_281 = arith.constant 0 : i32
      %dma_wait3A_282 = tpu.memref_slice %arg5[%add3A, %dma_wait3A_281] : memref<32x1024xf32, #tpu.memory_space<hbm>> -> memref<1x1024xf32, #tpu.memory_space<hbm>>
      %dma_wait3A_283 = tpu.memref_squeeze %dma_wait3A_282 : memref<1x1024xf32, #tpu.memory_space<hbm>> -> memref<1024xf32, #tpu.memory_space<hbm>>
      tpu.wait_dma2 semaphore(%run_scoped3A : memref<!tpu.dma_semaphore, #tpu.memory_space<semaphore_mem>>) src(%arg9 : memref<1024xf32, #tpu.memory_space<vmem>>) dst(%dma_wait3A_283 : memref<1024xf32, #tpu.memory_space<hbm>>)
      tpu.yield
    }) : () -> ()
    return
  }
}

module attributes {stable_mosaic.version = 14 : i64} {
  func.func @_dense_body(%arg0: i32, %arg1: memref<16384x100xf32, #tpu.memory_space<vmem>>, %arg2: memref<256x64xf32, #tpu.memory_space<vmem>>) attributes {dimension_semantics = [#tpu.dimension_semantics<arbitrary>], iteration_bounds = array<i64: 62>, scalar_prefetch = 0 : i64, scratch_operands = 0 : i64, tpu.core_type = #tpu.core_type<tc>, window_params = [{transform_indices = @transform_0, window_bounds = array<i64: 16384, 100>}, {transform_indices = @transform_1, window_bounds = array<i64: 256, 64>}]} {
    %get3A = arith.constant 0 : index
    %get3A_0 = arith.constant 0 : index
    %get3A_1 = vector.load %arg1[%get3A, %get3A_0] : memref<16384x100xf32, #tpu.memory_space<vmem>>, vector<16384x100xf32>
    %iota3A = tpu.iota {dimensions = array<i32: 1>} : vector<16384x100xi32>
    %bitcast_convert_type3A = tpu.bitcast %get3A_1 : vector<16384x100xf32> -> vector<16384x100xi32>
    %and3A = arith.constant -128 : i32
    %and3A_2 = vector.broadcast %and3A : i32 to vector<16384x100xi32>
    %and3A_3 = arith.andi %bitcast_convert_type3A, %and3A_2 : vector<16384x100xi32>
    %or3A = arith.ori %and3A_3, %iota3A : vector<16384x100xi32>
    %bitcast_convert_type3A_4 = tpu.bitcast %or3A : vector<16384x100xi32> -> vector<16384x100xf32>
    %reduce_max3A = arith.constant dense<0xFF800000> : vector<16384xf32>
    %reduce_max3A_5 = vector.multi_reduction <maximumf>, %bitcast_convert_type3A_4, %reduce_max3A [1] : vector<16384x100xf32> to vector<16384xf32>
    %broadcast_in_dim3A = vector.shape_cast %reduce_max3A_5 : vector<16384xf32> to vector<16384x1xf32>
    %sub3A = vector.broadcast %broadcast_in_dim3A : vector<16384x1xf32> to vector<16384x100xf32>
    %sub3A_6 = arith.subf %get3A_1, %sub3A : vector<16384x100xf32>
    %exp3A = math.exp %sub3A_6 : vector<16384x100xf32>
    %reduce_sum3A = arith.constant dense<0.000000e+00> : vector<16384xf32>
    %reduce_sum3A_7 = vector.multi_reduction <add>, %exp3A, %reduce_sum3A [1] : vector<16384x100xf32> to vector<16384xf32>
    %broadcast_in_dim3A_8 = vector.shape_cast %reduce_sum3A_7 : vector<16384xf32> to vector<16384x1xf32>
    %bitcast_convert_type3A_9 = tpu.bitcast %broadcast_in_dim3A_8 : vector<16384x1xf32> -> vector<16384x1xi32>
    %bitcast_convert_type3A_10 = tpu.bitcast %broadcast_in_dim3A : vector<16384x1xf32> -> vector<16384x1xi32>
    %and3A_11 = arith.constant -128 : i32
    %and3A_12 = vector.broadcast %and3A_11 : i32 to vector<16384x1xi32>
    %and3A_13 = arith.andi %bitcast_convert_type3A_9, %and3A_12 : vector<16384x1xi32>
    %and3A_14 = arith.constant 127 : i32
    %and3A_15 = vector.broadcast %and3A_14 : i32 to vector<16384x1xi32>
    %and3A_16 = arith.andi %bitcast_convert_type3A_10, %and3A_15 : vector<16384x1xi32>
    %or3A_17 = arith.ori %and3A_13, %and3A_16 : vector<16384x1xi32>
    %bitcast_convert_type3A_18 = tpu.bitcast %or3A_17 : vector<16384x1xi32> -> vector<16384x1xf32>
    %reshape3A = vector.shape_cast %bitcast_convert_type3A_18 : vector<16384x1xf32> to vector<256x64xf32>
    %swap3A = arith.constant 0 : index
    %swap3A_19 = arith.constant 0 : index
    %swap3A_20 = vector.load %arg2[%swap3A, %swap3A_19] : memref<256x64xf32, #tpu.memory_space<vmem>>, vector<256x64xf32>
    tpu.vector_store %arg2[%swap3A, %swap3A_19], %reshape3A {strides = array<i32>} : memref<256x64xf32, #tpu.memory_space<vmem>>, vector<256x64xf32>,
    return
  }
  func.func @transform_0(%arg0: i32) -> (i32, i32) {
    %c0_i32 = arith.constant 0 : i32
    %c0_i32_0 = arith.constant 0 : i32
    return %arg0, %c0_i32 : i32, i32
  }
  func.func @transform_1(%arg0: i32) -> (i32, i32) {
    %c0_i32 = arith.constant 0 : i32
    %c0_i32_0 = arith.constant 0 : i32
    return %arg0, %c0_i32 : i32, i32
  }
}

module attributes {stable_mosaic.version = 14 : i64} {
  func.func @_combine_body(%arg0: memref<32x1024xf32, #tpu.memory_space<vmem>>, %arg1: memref<32x1024xf32, #tpu.memory_space<vmem>>, %arg2: memref<1024x32xf32, #tpu.memory_space<vmem>>, %arg3: memref<1024x32xf32, #tpu.memory_space<vmem>>, %arg4: memref<1x1xf32, #tpu.memory_space<vmem>>, %arg5: memref<1x32xf32, #tpu.memory_space<vmem>>) attributes {dimension_semantics = [], scalar_prefetch = 0 : i64, scratch_operands = 0 : i64, tpu.core_type = #tpu.core_type<tc>} {
    %get3A = arith.constant 0 : index
    %get3A_0 = arith.constant 0 : index
    %get3A_1 = vector.load %arg0[%get3A, %get3A_0] : memref<32x1024xf32, #tpu.memory_space<vmem>>, vector<32x1024xf32>
    %reduce_sum3A = arith.constant dense<0.000000e+00> : vector<1024xf32>
    %reduce_sum3A_2 = vector.multi_reduction <add>, %get3A_1, %reduce_sum3A [0] : vector<32x1024xf32> to vector<1024xf32>
    %broadcast_in_dim3A = vector.shape_cast %reduce_sum3A_2 : vector<1024xf32> to vector<1x1024xf32>
    %get3A_3 = arith.constant 0 : index
    %get3A_4 = arith.constant 0 : index
    %get3A_5 = vector.load %arg1[%get3A_3, %get3A_4] : memref<32x1024xf32, #tpu.memory_space<vmem>>, vector<32x1024xf32>
    %reduce_sum3A_6 = arith.constant dense<0.000000e+00> : vector<1024xf32>
    %reduce_sum3A_7 = vector.multi_reduction <add>, %get3A_5, %reduce_sum3A_6 [0] : vector<32x1024xf32> to vector<1024xf32>
    %broadcast_in_dim3A_8 = vector.shape_cast %reduce_sum3A_7 : vector<1024xf32> to vector<1x1024xf32>
    %get3A_9 = arith.constant 0 : index
    %get3A_10 = arith.constant 0 : index
    %get3A_11 = vector.load %arg2[%get3A_9, %get3A_10] : memref<1024x32xf32, #tpu.memory_space<vmem>>, vector<1024x32xf32>
    %get3A_12 = arith.constant 0 : index
    %get3A_13 = arith.constant 0 : index
    %get3A_14 = vector.load %arg3[%get3A_12, %get3A_13] : memref<1024x32xf32, #tpu.memory_space<vmem>>, vector<1024x32xf32>
    %dot_general3A = arith.constant dense<0.000000e+00> : vector<1x32xf32>
    %dot_general3A_15 = tpu.matmul %broadcast_in_dim3A, %get3A_11, %dot_general3A {dimension_numbers = #tpu.dot_dimension_numbers<[1], [0], [0], [1], [0, 0, 1, 1], [], []>, transpose_lhs_hint = false} : vector<1x1024xf32>, vector<1024x32xf32>, vector<1x32xf32> -> vector<1x32xf32>
    %dot_general3A_16 = arith.constant dense<0.000000e+00> : vector<1x32xf32>
    %dot_general3A_17 = tpu.matmul %broadcast_in_dim3A, %get3A_14, %dot_general3A_16 {dimension_numbers = #tpu.dot_dimension_numbers<[1], [0], [0], [1], [0, 0, 1, 1], [], []>, transpose_lhs_hint = false} : vector<1x1024xf32>, vector<1024x32xf32>, vector<1x32xf32> -> vector<1x32xf32>
    %dot_general3A_18 = arith.constant dense<0.000000e+00> : vector<1x32xf32>
    %dot_general3A_19 = tpu.matmul %broadcast_in_dim3A_8, %get3A_11, %dot_general3A_18 {dimension_numbers = #tpu.dot_dimension_numbers<[1], [0], [0], [1], [0, 0, 1, 1], [], []>, transpose_lhs_hint = false} : vector<1x1024xf32>, vector<1024x32xf32>, vector<1x32xf32> -> vector<1x32xf32>
    %iota3A = tpu.iota {dimensions = array<i32: 1>} : vector<1x32xi32>
    %lt3A = arith.constant 20 : i32
    %lt3A_20 = vector.broadcast %lt3A : i32 to vector<1x32xi32>
    %lt3A_21 = arith.cmpi slt, %iota3A, %lt3A_20 : vector<1x32xi32>
    %gt3A = arith.constant 0.000000e+00 : f32
    %gt3A_22 = vector.broadcast %gt3A : f32 to vector<1x32xf32>
    %gt3A_23 = arith.cmpf ogt, %dot_general3A_15, %gt3A_22 : vector<1x32xf32>
    %and3A = arith.andi %lt3A_21, %gt3A_23 : vector<1x32xi1>
    %max3A = arith.constant 1.000000e+00 : f32
    %max3A_24 = vector.broadcast %max3A : f32 to vector<1x32xf32>
    %max3A_25 = arith.maximumf %dot_general3A_15, %max3A_24 : vector<1x32xf32>
    %div3A = arith.divf %dot_general3A_17, %max3A_25 : vector<1x32xf32>
    %jit3A = arith.constant 0.000000e+00 : f32
    %broadcast_in_dim3A_26 = vector.broadcast %jit3A : f32 to vector<1x32xf32>
    %select_n3A = arith.select %and3A, %div3A, %broadcast_in_dim3A_26 : vector<1x32xi1>, vector<1x32xf32>
    %div3A_27 = arith.divf %dot_general3A_19, %max3A_25 : vector<1x32xf32>
    %jit3A_28 = arith.constant 0.000000e+00 : f32
    %broadcast_in_dim3A_29 = vector.broadcast %jit3A_28 : f32 to vector<1x32xf32>
    %select_n3A_30 = arith.select %and3A, %div3A_27, %broadcast_in_dim3A_29 : vector<1x32xi1>, vector<1x32xf32>
    %div3A_31 = arith.constant 1.000000e+06 : f32
    %div3A_32 = vector.broadcast %div3A_31 : f32 to vector<1x32xf32>
    %div3A_33 = arith.divf %dot_general3A_15, %div3A_32 : vector<1x32xf32>
    %sub3A = arith.subf %select_n3A_30, %select_n3A : vector<1x32xf32>
    %abs3A = math.absf %sub3A : vector<1x32xf32>
    %mul3A = arith.mulf %abs3A, %div3A_33 : vector<1x32xf32>
    %jit3A_34 = arith.constant 0.000000e+00 : f32
    %broadcast_in_dim3A_35 = vector.broadcast %jit3A_34 : f32 to vector<1x32xf32>
    %select_n3A_36 = arith.select %and3A, %mul3A, %broadcast_in_dim3A_35 : vector<1x32xi1>, vector<1x32xf32>
    %reduce_sum3A_37 = vector.shape_cast %select_n3A_36 : vector<1x32xf32> to vector<1x1x32xf32>
    %reduce_sum3A_38 = arith.constant dense<0.000000e+00> : vector<1xf32>
    %reduce_sum3A_39 = vector.multi_reduction <add>, %reduce_sum3A_37, %reduce_sum3A_38 [1, 2] : vector<1x1x32xf32> to vector<1xf32>
    %reduce_sum3A_40 = vector.shape_cast %reduce_sum3A_39 : vector<1xf32> to vector<1x1x1xf32>
    %reduce_sum3A_41 = vector.extract %reduce_sum3A_40[0, 0, 0] : f32 from vector<1x1x1xf32>
    %broadcast_in_dim3A_42 = vector.broadcast %reduce_sum3A_41 : f32 to vector<1x1xf32>
    %swap3A = arith.constant 0 : index
    %swap3A_43 = arith.constant 0 : index
    %swap3A_44 = vector.load %arg4[%swap3A, %swap3A_43] : memref<1x1xf32, #tpu.memory_space<vmem>>, vector<1x1xf32>
    tpu.vector_store %arg4[%swap3A, %swap3A_43], %broadcast_in_dim3A_42 {strides = array<i32>} : memref<1x1xf32, #tpu.memory_space<vmem>>, vector<1x1xf32>,
    %swap3A_45 = arith.constant 0 : index
    %swap3A_46 = arith.constant 0 : index
    %swap3A_47 = vector.load %arg5[%swap3A_45, %swap3A_46] : memref<1x32xf32, #tpu.memory_space<vmem>>, vector<1x32xf32>
    tpu.vector_store %arg5[%swap3A_45, %swap3A_46], %select_n3A {strides = array<i32>} : memref<1x32xf32, #tpu.memory_space<vmem>>, vector<1x32xf32>,
    return
  }
}

</mosaic_0001>

<sc_bundles>
// kernel: kernel.5.cloned.1.call-start
scs
__scs_entry_jumppad:
0x0: {  	(pc) =	sbr.rel $0x88, $3  }
0x1: {  	(tag) =	ssettag $0x0;
	lr =	simm.s32 $0x1  }
0x2: {  	[smem:$0x3F9F] =	sst lr;
	_ =	strace $0xD0000000  }
0x3: {  	_ = 	snop  }
0x4: {  	_ = 	snop  }
0x5: {  	_ = 	snop  }
0x6: {  	_ = 	snop  }
0x7: {  	_ = 	snop  }
__scs_overlays_trampoline_lowered:
0x8: {  	[smem:$0x3FAE] =	sst s0  }
0x9: {  	[smem:$0x3FAF] =	sst s1  }
0xa: {  	[smem:$0x3FB0] =	sst s2  }
0xb: {  	[smem:$0x3FB1] =	sst s3  }
0xc: {  	[smem:$0x3FB2] =	sst s4  }
0xd: {  	[smem:$0x3FB3] =	sst s5  }
0xe: {  	[smem:$0x3FB4] =	sst s6  }
0xf: {  	[smem:$0x3FB5] =	sst s7  }
0x10: {  	[smem:$0x3FB6] =	sst s8  }
0x11: {  	[smem:$0x3FB7] =	sst s9;
	s0 =	simm.s32 @!p0 $0x0  }
0x12: {  	s1 =	sld [smem:$0x3F9D];
	s0 =	simm.s32 @p0 $0x1  }
0x13: {  	[smem:$0x3FB8] =	sst s0;
	s0 =	simm.s32 @!p1 $0x0  }
0x14: {  	s2 =	sld [smem:$0x3F9C];
	s0 =	simm.s32 @p1 $0x1  }
0x15: {  	[smem:$0x3FB9] =	sst s0;
	s0 =	simm.s32 @!p2 $0x0  }
0x16: {  	s3 =	sld [smem:$0x3FDB];
	s0 =	simm.s32 @p2 $0x1  }
0x17: {  	s4 =	simm.s32 $0x1BF5;
	[smem:$0x3FBB] =	sst s0  }
0x18: {  	s0 =	sld [smem:$0x3F9E];
	_ =	swait.ge [sflag:s4], $0x0  }
0x19: {  	s7 =	sld [smem:$0x3F9F]  }
0x1a: {  	s8 =	sadd.s32 $0xFFFFE003, lr  }
0x1b: {  	s9 =	sadd.s32 $0xFFFFFEF7, lr;
	s5 =	simm.s32 $0xFFFFFFFF;
	p2 =	slt.u32 s8, $0xFFFFF086  }
0x1c: {  	p1 =	slt.u32 s9, $0xF7A;
	s5 =	simm.s32 @!p2 $0x0  }
0x1d: {  	s5 =	simm.s32 @p1 $0x1;
	p0 =	seq.s32 s7, s2  }
0x1e: {  	s7 =	smul.u32 @!p0 $0xF7A, s2;
	p2 =	seq.s32 @!p0 s5, $0x0  }
0x1f: {  	s9 =	smul.u32 $0xF7A, s1;
	s8 =	simm.s32 @!p0 $0x1BF5;
	p2 =	por !p2, p0  }
0x20: {  	[sflag:s8] =	ssyncset.s32 @!p0 $0xFFFFF086;
	s6 =	sadd.s32 @!p0 s3, s7;
	s7 =	simm.s32 @!p0 $0x108  }
0x21: {  	s3 =	sadd.s32 s3, s9;
	s6 =	sadd.s32 @!p0 $0x88, s6;
	s7 =	simm.s32 @p2 $0x1082  }
0x22: {  	[simem:s7], [sflag:s8] =	dma.local @!p0 [hbm:s6], $0xF7A  }
0x23: {  	s9 =	sor.u32 $0xD0000000, s2;
	s6 =	simm.s32 $0x108;
	_ =	swait.ge @!p0 [sflag:s8], $0x0  }
0x24: {  	s3 =	sadd.s32 $0x88, s3;
	s6 =	simm.s32 @!p1 $0x1082;
	[sflag:s4] =	ssyncset.s32 $0xFFFFF086  }
0x25: {  	[simem:s6], [sflag:s4] =	dma.local [hbm:s3], $0xF7A  }
0x26: {  	[smem:$0x3F9F] =	sst s1;
	(tag) =	ssettag s2;
	_ =	strace s9  }
0x27: {  	s1 =	sld [smem:$0x3FAF]  }
0x28: {  	s2 =	sld [smem:$0x3FB0]  }
0x29: {  	s4 =	sld [smem:$0x3FB2]  }
0x2a: {  	p0 =	seq.s32 s5, $0x0;
	s5 =	sld [smem:$0x3FB3]  }
0x2b: {  	s6 =	sld [smem:$0x3FB4]  }
0x2c: {  	s7 =	sld [smem:$0x3FB5]  }
0x2d: {  	s3 =	simm.s32 $0x108;
	s8 =	sld [smem:$0x3FB6]  }
0x2e: {  	s3 =	simm.s32 @!p0 $0x1082;
	s9 =	sld [smem:$0x3FB7]  }
0x2f: {  	lr =	sadd.s32 s0, s3;
	s0 =	sld [smem:$0x3FAE]  }
0x30: {  	s3 =	sld [smem:$0x3FB1]  }
0x31: {  	[smem:$0x3FBA] =	sst s10  }
0x32: {  	s10 =	sld [smem:$0x3FB8];
	_ =	sdelay $0x3  }
0x33: {  	p0 =	seq.s32 s10, $0x1;
	s10 =	sld [smem:$0x3FBA];
	_ =	sdelay $0x3  }
0x34: {  	[smem:$0x3FBA] =	sst s10  }
0x35: {  	s10 =	sld [smem:$0x3FB9];
	_ =	sdelay $0x3  }
0x36: {  	p1 =	seq.s32 s10, $0x1;
	s10 =	sld [smem:$0x3FBA];
	_ =	sdelay $0x3  }
0x37: {  	[smem:$0x3FBA] =	sst s10  }
0x38: {  	s10 =	sld [smem:$0x3FBB]  }
0x39: {  	_ = 	snop;
	(pc) =	sbr.ind lr, $3  }
0x3a: {  	_ = 	snop  }
0x3b: {  	_ = 	snop  }
0x3c: {  	p2 =	seq.s32 s10, $0x1;
	s10 =	sld [smem:$0x3FBA]  }
0x3d: {  	_ =	shalt  }
0x3e: {  	_ =	shalt  }
0x3f: {  	_ =	shalt  }
0x40: {  	_ =	shalt  }
0x41: {  	_ =	shalt  }
0x42: {  	_ =	shalt  }
0x43: {  	_ =	shalt  }
0x44: {  	_ =	shalt  }
0x45: {  	_ =	shalt  }
0x46: {  	_ =	shalt  }
0x47: {  	_ =	shalt  }
0x48: {  	_ =	shalt  }
0x49: {  	_ =	shalt  }
0x4a: {  	_ =	shalt  }
0x4b: {  	_ =	shalt  }
0x4c: {  	_ =	shalt  }
0x4d: {  	_ =	shalt  }
0x4e: {  	_ =	shalt  }
0x4f: {  	_ =	shalt  }
0x50: {  	_ =	shalt  }
0x51: {  	_ =	shalt  }
0x52: {  	_ =	shalt  }
0x53: {  	_ =	shalt  }
0x54: {  	_ =	shalt  }
0x55: {  	_ =	shalt  }
0x56: {  	_ =	shalt  }
0x57: {  	_ =	shalt  }
0x58: {  	_ =	shalt  }
0x59: {  	_ =	shalt  }
0x5a: {  	_ =	shalt  }
0x5b: {  	_ =	shalt  }
0x5c: {  	_ =	shalt  }
0x5d: {  	_ =	shalt  }
0x5e: {  	_ =	shalt  }
0x5f: {  	_ =	shalt  }
0x60: {  	_ =	shalt  }
0x61: {  	_ =	shalt  }
0x62: {  	_ =	shalt  }
0x63: {  	_ =	shalt  }
0x64: {  	_ =	shalt  }
0x65: {  	_ =	shalt  }
0x66: {  	_ =	shalt  }
0x67: {  	_ =	shalt  }
0x68: {  	_ =	shalt  }
0x69: {  	_ =	shalt  }
0x6a: {  	_ =	shalt  }
0x6b: {  	_ =	shalt  }
0x6c: {  	_ =	shalt  }
0x6d: {  	_ =	shalt  }
0x6e: {  	_ =	shalt  }
0x6f: {  	_ =	shalt  }
0x70: {  	_ =	shalt  }
0x71: {  	_ =	shalt  }
0x72: {  	_ =	shalt  }
0x73: {  	_ =	shalt  }
0x74: {  	_ =	shalt  }
0x75: {  	_ =	shalt  }
0x76: {  	_ =	shalt  }
0x77: {  	_ =	shalt  }
0x78: {  	_ =	shalt  }
0x79: {  	_ =	shalt  }
0x7a: {  	_ =	shalt  }
0x7b: {  	_ =	shalt  }
0x7c: {  	_ =	shalt  }
0x7d: {  	_ =	shalt  }
0x7e: {  	_ =	shalt  }
0x7f: {  	_ =	shalt  }
0x80: {  	_ =	shalt  }
0x81: {  	_ =	shalt  }
0x82: {  	_ =	shalt  }
0x83: {  	_ =	shalt  }
0x84: {  	_ =	shalt  }
0x85: {  	_ =	shalt  }
0x86: {  	_ =	shalt  }
0x87: {  	_ =	shalt  }
.Lfunc_end0:
.L_simem_size_0:
called_computation_lowered:
.L_overlay_start_0:
0x88: {  	s2 =	sld [smem:$0x3FD9]  }
0x89: {  	s3 =	sld [smem:$0x3FFE];
	_ =	sdelay $0x1  }
0x8a: {  	s1 =	srdreg.scid  }
0x8b: {  	s0 =	sand.u32 $0x1, s1  }
0x8c: {  	s17 =	sshll.u32 s0, $0xA;
	s2 =	sadd.s32 s3, s2  }
0x8d: {  	s2 =	sadd.s32 s2, s17  }
0x8e: {  	[smem:$0x3FC6] =	sst s2  }
0x8f: {  	_ = 	snop  }
0x90: {  	s2 =	sld [smem:$0x3FC8];
	(tm) =	ssettm $0x1  }
0x91: {  	s18 =	sld [smem:$0x3FFB];
	_ =	sdelay $0x3  }
0x92: {  	_ =	strace s18  }
0x93: {  	s3 =	sld [smem:$0x3FFC];
	_ =	sdelay $0x3  }
0x94: {  	_ =	strace s3  }
0x95: {  	s3 =	sld [smem:$0x3FFD];
	_ =	sdelay $0x3  }
0x96: {  	_ =	strace s3  }
0x97: {  	_ =	strace $0x8FFFFFFF  }
0x98: {  	s19 =	sld [smem:$0x3FDB];
	_ =	sdelay $0x1  }
0x99: {  	s4 =	simm.s32 $_scs_section_size  }
0x9a: {  	s5 =	simm.s32 $_size__tile_overlayer_lowered;
	s6 =	simm.s32 $_tile_overlayer_lowered  }
0x9b: {  	s22 =	simm.s32 $0x1BFF;
	s21 =	sshll.u32 s6, $0x1;
	s3 =	sadd.s32 s4, s19  }
0x9c: {  	s7 =	simm.s32 $0x0;
	s20 =	sshll.u32 s5, $0x1;
	s5 =	sadd.s32 s21, s3  }
0x9d: {  	[timem:s7], [sflag:s22] =	dma.local [hbm:s5], s20  }
0x9e: {  	_ =	swait.ge [sflag:s22], s20  }
0x9f: {  	s4 =	ssub.s32 $0x0, s20;
	[sflag:s22] =	ssyncset.done $0x0  }
0xa0: {  	[sflag:s22] =	ssyncadd.s32 s4;
	_ =	sdelay $0x1  }
0xa1: {  	s23 =	simm.s32 $0x1B8B  }
0xa2: {  	_ =	swait.ge [sflag:s23], $0x1  }
0xa3: {  	[sflag:s23] =	ssyncset.done $0x0  }
0xa4: {  	s25 =	simm.s32 $0x1B8E;
	s24 =	sld [smem:$0x3FFE];
	[sflag:s23] =	ssyncadd.s32 $0xFFFFFFFF  }
0xa5: {  	s26 =	simm.s32 $execute0_lowered;
	[smem:$0x3FD2] =	sst s25  }
0xa6: {  	s5 =	sshll.u32 s26, $0x1;
	_ =	strace $0x80000046;
	[dreg:$0x1] =	wrdreg $0xFFFFFFFF  }
0xa7: {  	s28 =	simm.s32 $_size_execute0_lowered;
	s3 =	sadd.s32 s3, s5;
	[dreg:$0x0] =	wrdreg $0x0  }
0xa8: {  	s5 =	sshll.u32 s28, $0x1;
	[dreg:$0x2] =	wrdreg s3  }
0xa9: {  	[dreg:$0x3] =	wrdreg s5  }
0xaa: {  	[dreg:$0x4] =	wrdreg $0xC0  }
0xab: {  	_ =	task [dreg:s7], $0x5FFFF  }
0xac: {  	[dreg:$0x1] =	wrdreg $0xFFFFFFFF  }
0xad: {  	[dreg:$0x0] =	wrdreg $0x60  }
0xae: {  	[dreg:$0x2] =	wrdreg s24  }
0xaf: {  	[dreg:$0x3] =	wrdreg s2  }
0xb0: {  	[dreg:$0x4] =	wrdreg $0x9  }
0xb1: {  	_ =	task.clear_ibuf [dreg:s7], $0x5FFFF;
	_ =	strace $0x90000046  }
0xb2: {  	s29 =	simm.s32 $0x9;
	_ =	strace $0x80000048  }
0xb3: {  	_ =	swait.ge [sflag:s29], $0x1  }
0xb4: {  	[sflag:s29] =	ssyncadd.s32 $0xFFFFFFFF  }
0xb5: {  	_ =	strace $0x90000048  }
0xb6: {  	_ =	sfence  }
0xb7: {  	s30 =	sld [smem:$0x0];
	_ =	sdelay $0x2  }
0xb8: {  	s31 =	sshll.u32 s1, $0xD;
	s1 =	sshrl.u32 s1, $0x2  }
0xb9: {  	s3 =	sand.u32 $0x4000, s31;
	s1 =	sadd.s32 s1, s30  }
0xba: {  	s0 =	sor.u32 s3, s0;
	s1 =	sshll.u32 s1, $0x11  }
0xbb: {  	s0 =	sor.u32 s1, s0  }
0xbc: {  	s0 =	sadd.s32 $0x8F2B, s0  }
0xbd: {  	[sflag:s0] =	ssyncadd.remote.s32 $0x1  }
0xbe: {  	_ =	sfence.sel $0xFFFF  }
0xbf: {  	[dreg:$0x0] =	wrdreg $0xFFFFFFFF;
	(pc) =	sbr.abs _section_cstart, $3  }
0xc0: {  	[dreg:$0x1] =	wrdreg $0xFFFFFFFF  }
0xc1: {  	_ =	task.clear_ibuf [dreg:s7], $0x2FFFF;
	_ =	strace $0x9FFFFFFF  }
0xc2: {  	(tm) =	ssettm $0x7FFFFFFF  }
0xc3: {  	_ =	shalt  }
tec
execute0_lowered:
.L_overlay_start_1:
0x0: {  	(tag) =	ssettag $0x1  }
0x1: {  	s3 =	rddreg [dreg:$0x0];
	s1 =	srdreg.scid  }
0x2: {  	s0 =	stileid.u32;
	s5 =	rddreg [dreg:$0x1];
	s2 =	simm.s32 $0x0  }
0x3: {  	s13 =	simm.s32 $0x400;
	s4 =	sand.u32 $0x1, s1;
	s1 =	rddreg [dreg:$0x2]  }
0x4: {  	s14 =	simm.s32 $0x0;
	s6 =	sshll.u32 s0, $0x1;
	[smem:$0x7FF] =	sst s2  }
0x5: {  	s30 =	sshll.u32 s0, $0x8;
	s9 =	sor.u32 s4, s6;
	_ =	strace $0x80000047  }
0x6: {  	s4 =	ssub.s32 $0x2, s4;
	s10 =	smul.u32 $0x7C00, s9;
	s7 =	sshll.u32 s9, $0x4  }
0x7: {  	s11 =	sshrl.u32 s4, $0x1;
	p0 =	seq.s32 s9, $0x1F;
	s9 =	simm.s32 $0x1  }
0x8: {  	v0 =	vlaneseq.u32;
	s6 =	sor.u32 s30, s7;
	s11 =	ssub.s32 s4, s11;
	s8 =	sshrl.u32 s10, $0x3  }
0x9: {  	s6 =	sand.u32 $0xC70, s6;
	v1 =	vor.u32 s10, v0;
	s10 =	simm.s32 $0xF800;
	s31 =	sadd.s32 s8, s3  }
0xa: {  	s12 =	sadd.s32 s6, s3;
	s4 =	sadd.s32 s5, s8;
	s5 =	sadd.s32 $0x1E080, s5  }
0xb: {  	s8 =	smax.u32 s11, $0x1;
	s11 =	simm.s32 $0xFC00;
	s3 =	sadd.s32 $0x1000, s31  }
0xc: {  	v2 =	vimm.f32 $0.0e+00;
	v3 =	vimm.s32 $0x0;
	v4 =	vimm.f32 $1.000000000e+00;
	s6 =	sadd.s32 $0x20000, s12;
	s7 =	sadd.s32 $0x21000, s12;
	s12 =	simm.s32 $0x80  }
.LBB2_1:
0xd: {  	[tilespmem:s2], [sflag:$0x1] =	stream.linear.gather [hbm4b:s3+s2], $0x7C00, $0x38;
	[tilespmem:$0x10000] =	vst v63  }
0xe: {  	_ =	swait.ge [sflag:s9], $0x7C00  }
0xf: {  	[sflag:s9] =	ssyncset.done $0x0  }
0x10: {  	s15 =	simm.s32 @p0 $0x0;
	s16 =	simm.s32 @p0 $0x7C00;
	[sflag:s9] =	ssyncadd.s32 $0xFFFF8400  }
0x11: {  	[tilespmem:s16], [sflag:$0x1] =	stream.linear.gather @p0 [hbm4b:s5+s15], $0x3E40, $0x38;
	[tilespmem:$0x10000] =	vst v63  }
0x12: {  	s15 =	simm.s32 @p0 $0x1  }
0x13: {  	_ =	swait.ge @p0 [sflag:s15], $0x3E40  }
0x14: {  	[sflag:s15] =	ssyncset.done @p0 $0x0  }
0x15: {  	s16 =	simm.s32 @!p0 $0x7C00;
	[sflag:s15] =	ssyncadd.s32 @p0 $0xFFFFC1C0;
	s15 =	simm.s32 @!p0 $0x0  }
0x16: {  	[tilespmem:s16], [sflag:$0x1] =	stream.linear.gather @!p0 [hbm4b:s4+s15], $0x7C00, $0x38;
	[tilespmem:$0x10000] =	vst v63  }
0x17: {  	s15 =	simm.s32 @!p0 $0x1  }
0x18: {  	_ =	swait.ge @!p0 [sflag:s15], $0x7C00  }
0x19: {  	[sflag:s15] =	ssyncset.done @!p0 $0x0  }
0x1a: {  	[sflag:s15] =	ssyncadd.s32 @!p0 $0xFFFF8400  }
0x1b: {  	[tilespmem:$0xF800] =	vst v2  }
0x1c: {  	[tilespmem:$0xFC00] =	vst v2  }
0x1d: {  	[tilespmem:$0xF810] =	vst v2  }
0x1e: {  	[tilespmem:$0xFC10] =	vst v2  }
0x1f: {  	[tilespmem:$0xF820] =	vst v2  }
0x20: {  	[tilespmem:$0xFC20] =	vst v2  }
0x21: {  	[tilespmem:$0xF830] =	vst v2  }
0x22: {  	[tilespmem:$0xFC30] =	vst v2  }
0x23: {  	[tilespmem:$0xF840] =	vst v2  }
0x24: {  	[tilespmem:$0xFC40] =	vst v2  }
0x25: {  	[tilespmem:$0xF850] =	vst v2  }
0x26: {  	[tilespmem:$0xFC50] =	vst v2  }
0x27: {  	[tilespmem:$0xF860] =	vst v2  }
0x28: {  	[tilespmem:$0xFC60] =	vst v2  }
0x29: {  	[tilespmem:$0xF870] =	vst v2  }
0x2a: {  	[tilespmem:$0xFC70] =	vst v2  }
0x2b: {  	[tilespmem:$0xF880] =	vst v2  }
0x2c: {  	[tilespmem:$0xFC80] =	vst v2  }
0x2d: {  	[tilespmem:$0xF890] =	vst v2  }
0x2e: {  	[tilespmem:$0xFC90] =	vst v2  }
0x2f: {  	[tilespmem:$0xF8A0] =	vst v2  }
0x30: {  	[tilespmem:$0xFCA0] =	vst v2  }
0x31: {  	[tilespmem:$0xF8B0] =	vst v2  }
0x32: {  	[tilespmem:$0xFCB0] =	vst v2  }
0x33: {  	[tilespmem:$0xF8C0] =	vst v2  }
0x34: {  	[tilespmem:$0xFCC0] =	vst v2  }
0x35: {  	[tilespmem:$0xF8D0] =	vst v2  }
0x36: {  	[tilespmem:$0xFCD0] =	vst v2  }
0x37: {  	[tilespmem:$0xF8E0] =	vst v2  }
0x38: {  	[tilespmem:$0xFCE0] =	vst v2  }
0x39: {  	[tilespmem:$0xF8F0] =	vst v2  }
0x3a: {  	[tilespmem:$0xFCF0] =	vst v2  }
0x3b: {  	[tilespmem:$0xF900] =	vst v2  }
0x3c: {  	[tilespmem:$0xFD00] =	vst v2  }
0x3d: {  	[tilespmem:$0xF910] =	vst v2  }
0x3e: {  	[tilespmem:$0xFD10] =	vst v2  }
0x3f: {  	[tilespmem:$0xF920] =	vst v2  }
0x40: {  	[tilespmem:$0xFD20] =	vst v2  }
0x41: {  	[tilespmem:$0xF930] =	vst v2  }
0x42: {  	[tilespmem:$0xFD30] =	vst v2  }
0x43: {  	[tilespmem:$0xF940] =	vst v2  }
0x44: {  	[tilespmem:$0xFD40] =	vst v2  }
0x45: {  	[tilespmem:$0xF950] =	vst v2  }
0x46: {  	[tilespmem:$0xFD50] =	vst v2  }
0x47: {  	[tilespmem:$0xF960] =	vst v2  }
0x48: {  	[tilespmem:$0xFD60] =	vst v2  }
0x49: {  	[tilespmem:$0xF970] =	vst v2  }
0x4a: {  	[tilespmem:$0xFD70] =	vst v2  }
0x4b: {  	[tilespmem:$0xF980] =	vst v2  }
0x4c: {  	[tilespmem:$0xFD80] =	vst v2  }
0x4d: {  	[tilespmem:$0xF990] =	vst v2  }
0x4e: {  	[tilespmem:$0xFD90] =	vst v2  }
0x4f: {  	[tilespmem:$0xF9A0] =	vst v2  }
0x50: {  	[tilespmem:$0xFDA0] =	vst v2  }
0x51: {  	[tilespmem:$0xF9B0] =	vst v2  }
0x52: {  	[tilespmem:$0xFDB0] =	vst v2  }
0x53: {  	[tilespmem:$0xF9C0] =	vst v2  }
0x54: {  	[tilespmem:$0xFDC0] =	vst v2  }
0x55: {  	[tilespmem:$0xF9D0] =	vst v2  }
0x56: {  	[tilespmem:$0xFDD0] =	vst v2  }
0x57: {  	[tilespmem:$0xF9E0] =	vst v2  }
0x58: {  	[tilespmem:$0xFDE0] =	vst v2  }
0x59: {  	[tilespmem:$0xF9F0] =	vst v2  }
0x5a: {  	[tilespmem:$0xFDF0] =	vst v2  }
0x5b: {  	[tilespmem:$0xFA00] =	vst v2  }
0x5c: {  	[tilespmem:$0xFE00] =	vst v2  }
0x5d: {  	[tilespmem:$0xFA10] =	vst v2  }
0x5e: {  	[tilespmem:$0xFE10] =	vst v2  }
0x5f: {  	[tilespmem:$0xFA20] =	vst v2  }
0x60: {  	[tilespmem:$0xFE20] =	vst v2  }
0x61: {  	[tilespmem:$0xFA30] =	vst v2  }
0x62: {  	[tilespmem:$0xFE30] =	vst v2  }
0x63: {  	[tilespmem:$0xFA40] =	vst v2  }
0x64: {  	[tilespmem:$0xFE40] =	vst v2  }
0x65: {  	[tilespmem:$0xFA50] =	vst v2  }
0x66: {  	[tilespmem:$0xFE50] =	vst v2  }
0x67: {  	[tilespmem:$0xFA60] =	vst v2  }
0x68: {  	[tilespmem:$0xFE60] =	vst v2  }
0x69: {  	[tilespmem:$0xFA70] =	vst v2  }
0x6a: {  	[tilespmem:$0xFE70] =	vst v2  }
0x6b: {  	[tilespmem:$0xFA80] =	vst v2  }
0x6c: {  	[tilespmem:$0xFE80] =	vst v2  }
0x6d: {  	[tilespmem:$0xFA90] =	vst v2  }
0x6e: {  	[tilespmem:$0xFE90] =	vst v2  }
0x6f: {  	[tilespmem:$0xFAA0] =	vst v2  }
0x70: {  	[tilespmem:$0xFEA0] =	vst v2  }
0x71: {  	[tilespmem:$0xFAB0] =	vst v2  }
0x72: {  	[tilespmem:$0xFEB0] =	vst v2  }
0x73: {  	[tilespmem:$0xFAC0] =	vst v2  }
0x74: {  	[tilespmem:$0xFEC0] =	vst v2  }
0x75: {  	[tilespmem:$0xFAD0] =	vst v2  }
0x76: {  	[tilespmem:$0xFED0] =	vst v2  }
0x77: {  	[tilespmem:$0xFAE0] =	vst v2  }
0x78: {  	[tilespmem:$0xFEE0] =	vst v2  }
0x79: {  	[tilespmem:$0xFAF0] =	vst v2  }
0x7a: {  	[tilespmem:$0xFEF0] =	vst v2  }
0x7b: {  	[tilespmem:$0xFB00] =	vst v2  }
0x7c: {  	[tilespmem:$0xFF00] =	vst v2  }
0x7d: {  	[tilespmem:$0xFB10] =	vst v2  }
0x7e: {  	[tilespmem:$0xFF10] =	vst v2  }
0x7f: {  	[tilespmem:$0xFB20] =	vst v2  }
0x80: {  	[tilespmem:$0xFF20] =	vst v2  }
0x81: {  	[tilespmem:$0xFB30] =	vst v2  }
0x82: {  	[tilespmem:$0xFF30] =	vst v2  }
0x83: {  	[tilespmem:$0xFB40] =	vst v2  }
0x84: {  	[tilespmem:$0xFF40] =	vst v2  }
0x85: {  	[tilespmem:$0xFB50] =	vst v2  }
0x86: {  	[tilespmem:$0xFF50] =	vst v2  }
0x87: {  	[tilespmem:$0xFB60] =	vst v2  }
0x88: {  	[tilespmem:$0xFF60] =	vst v2  }
0x89: {  	[tilespmem:$0xFB70] =	vst v2  }
0x8a: {  	[tilespmem:$0xFF70] =	vst v2  }
0x8b: {  	[tilespmem:$0xFB80] =	vst v2  }
0x8c: {  	[tilespmem:$0xFF80] =	vst v2  }
0x8d: {  	[tilespmem:$0xFB90] =	vst v2  }
0x8e: {  	[tilespmem:$0xFF90] =	vst v2  }
0x8f: {  	[tilespmem:$0xFBA0] =	vst v2  }
0x90: {  	[tilespmem:$0xFFA0] =	vst v2  }
0x91: {  	[tilespmem:$0xFBB0] =	vst v2  }
0x92: {  	[tilespmem:$0xFFB0] =	vst v2  }
0x93: {  	[tilespmem:$0xFBC0] =	vst v2  }
0x94: {  	[tilespmem:$0xFFC0] =	vst v2  }
0x95: {  	[tilespmem:$0xFBD0] =	vst v2  }
0x96: {  	[tilespmem:$0xFFD0] =	vst v2  }
0x97: {  	[tilespmem:$0xFBE0] =	vst v2  }
0x98: {  	[tilespmem:$0xFFE0] =	vst v2  }
0x99: {  	[tilespmem:$0xFBF0] =	vst v2  }
0x9a: {  	s31 =	simm.s32 $0x0;
	[tilespmem:$0xFFF0] =	vst v2  }
0x9b: {  	v5 =	vld [tilespmem:s31+$0x0];
	_ =	sdelay $0x4  }
0x9c: {  	(erf) = vrcp.f32 v5;
	_ =	sdelay $0x8  }
0x9d: {  	v6 =	vpop (erf)  }
0x9e: {  	v7 =	vmul.f32 $2.000000000e+01, v6;
	_ =	sdelay $0x1  }
0x9f: {  	v7 =	vtrunc.f32 v7  }
0xa0: {  	v8 =	vld [tilespmem:s31+$0x7C00];
	v7 =	vcvt.f32.s32 v7;
	_ =	sdelay $0x1  }
0xa1: {  	vm0 =	vgt.s32 v7, $0x0  }
0xa2: {  	v7 =	vnsel vm0, $0x0, v7  }
0xa3: {  	v5 =	vand.u32 $0x7F, v5;
	v7 =	vmin.u32 v7, $0x13  }
0xa4: {  	vm14 =	veq.s32 v5, v8;
	v5 =	vshll.u32 v7, $0x4  }
0xa5: {  	v7 =	vsel vm14, $0x200, v3;
	v8 =	vor.u32 v0, v5;
	v5 =	vand.u32 $0x180, v5  }
0xa6: {  	vm15 =	vlt.s32 v1, $0xF4240;
	v5 =	vor.u32 v7, v5;
	v7 =	vand.u32 $0x7F, v8  }
0xa7: {  	v5 =	vor.u32 v7, v5;
	_ =	sdelay $0x4  }
0xa8: {  	[tilespmem:v5+s10+$0x0] =	vst.idx.add.f32.msk vm15, v4  }
0xa9: {  	s16 =	simm.s32 $0x10;
	[tilespmem:v5+s11+$0x0] =	vst.idx.add.f32.msk vm15, v6  }
0xaa: {  	s15 =	simm.s32 $0x80;
	v5 =	vmov v1;
	v6 =	vld [tilespmem:s16+$0x0]  }
.LBB2_2:
0xab: {  	p1 =	sne.s32 s15, $0x1EFC0;
	_ =	sdelay $0x3  }
0xac: {  	(erf) = vrcp.f32 v6;
	_ =	sdelay $0x8  }
0xad: {  	v7 =	vpop (erf)  }
0xae: {  	v8 =	vmul.f32 $2.000000000e+01, v7;
	_ =	sdelay $0x1  }
0xaf: {  	v8 =	vtrunc.f32 v8  }
0xb0: {  	v9 =	vld [tilespmem:s16+$0x7C00];
	v8 =	vcvt.f32.s32 v8;
	_ =	sdelay $0x1  }
0xb1: {  	vm0 =	vgt.s32 v8, $0x0  }
0xb2: {  	v8 =	vnsel vm0, $0x0, v8  }
0xb3: {  	v6 =	vand.u32 $0x7F, v6;
	v8 =	vmin.u32 v8, $0x13  }
0xb4: {  	v5 =	vadd.s32 $0x10, v5;
	vm0 =	veq.s32 v6, v9;
	v6 =	vshll.u32 v8, $0x4  }
0xb5: {  	v8 =	vsel vm0, $0x200, v3;
	v9 =	vor.u32 v0, v6;
	v6 =	vand.u32 $0x180, v6  }
0xb6: {  	vm0 =	vlt.s32 v5, $0xF4240;
	v6 =	vor.u32 v8, v6;
	v8 =	vand.u32 $0x7F, v9  }
0xb7: {  	v6 =	vor.u32 v8, v6;
	_ =	sdelay $0x2  }
.Ltmp0:
0xb8: {  	(pc) =	sbr.rel @p1 .LBB2_2-.Ltmp0, $4  }
0xb9: {  	_ = 	snop  }
0xba: {  	[tilespmem:v6+s10+$0x0] =	vst.idx.add.f32.msk vm0, v4  }
0xbb: {  	s16 =	sshra.s32 s15, $0x2;
	[tilespmem:v6+s11+$0x0] =	vst.idx.add.f32.msk vm0, v7  }
0xbc: {  	s15 =	sadd.s32 $0x40, s15;
	v6 =	vld [tilespmem:s16+$0x0]  }
0xbd: {  	_ =	sdelay $0x3  }
0xbe: {  	(erf) = vrcp.f32 v6;
	_ =	sdelay $0x8  }
0xbf: {  	v7 =	vpop (erf)  }
0xc0: {  	v8 =	vmul.f32 $2.000000000e+01, v7;
	_ =	sdelay $0x1  }
0xc1: {  	v8 =	vtrunc.f32 v8  }
0xc2: {  	v9 =	vld [tilespmem:s16+$0x7C00];
	v8 =	vcvt.f32.s32 v8;
	_ =	sdelay $0x1  }
0xc3: {  	vm0 =	vgt.s32 v8, $0x0  }
0xc4: {  	v8 =	vnsel vm0, $0x0, v8  }
0xc5: {  	v6 =	vand.u32 $0x7F, v6;
	v8 =	vmin.u32 v8, $0x13  }
0xc6: {  	v5 =	vadd.s32 $0x10, v5;
	vm14 =	veq.s32 v6, v9;
	v6 =	vshll.u32 v8, $0x4  }
0xc7: {  	v62 =	vsel vm14, $0x200, v3;
	v63 =	vor.u32 v0, v6;
	v6 =	vand.u32 $0x180, v6  }
0xc8: {  	vm15 =	vlt.s32 v5, $0xF4240;
	v5 =	vor.u32 v62, v6;
	v6 =	vand.u32 $0x7F, v63  }
0xc9: {  	v5 =	vor.u32 v6, v5;
	_ =	sdelay $0x4  }
0xca: {  	[tilespmem:v5+s10+$0x0] =	vst.idx.add.f32.msk vm15, v4  }
0xcb: {  	[tilespmem:v5+s11+$0x0] =	vst.idx.add.f32.msk vm15, v7  }
0xcc: {  	[hbm4b:s6+s12] =	stream.strided.scatter [tilespmem:s10], [sflag:$0x1], $0x400, s13, s12, $0x38;
	[tilespmem:$0x10000] =	vst v63  }
0xcd: {  	s14 =	sadd.s32 $0x1, s14;
	_ =	swait.ge [sflag:s9], $0x400  }
0xce: {  	p1 =	sne.s32 s14, s8;
	[sflag:s9] =	ssyncset.done $0x0  }
.Ltmp1:
0xcf: {  	[sflag:s9] =	ssyncadd.s32 $0xFFFFFC00;
	(pc) =	sbr.rel @p1 .LBB2_1-.Ltmp1, $4  }
0xd0: {  	[hbm4b:s7+s12] =	stream.strided.scatter [tilespmem:s11], [sflag:$0x1], $0x400, s13, s12, $0x38;
	[tilespmem:$0x10000] =	vst v63  }
0xd1: {  	_ =	swait.ge [sflag:s9], $0x400  }
0xd2: {  	[sflag:s9] =	ssyncset.done $0x0  }
0xd3: {  	[sflag:s9] =	ssyncadd.s32 $0xFFFFFC00  }
0xd4: {  	_ =	sfence.sel $0x180000  }
0xd5: {  	[bflag:$0x0] =	sbarrier.arrive $0xFFFF  }
0xd6: {  	p0 =	sne.s32 s0, $0x0;
	_ =	strace $0x90000047  }
0xd7: {  	s0 =	sadd.s32 @!p0 $0x100000, s1;
	[bflag:$0x2] =	sbarrier.arrive $0xFFFF  }
0xd8: {  	[sflag:s0] =	ssyncadd.tile.s32 @!p0 $0x1;
	_ =	shalt  }
.Lfunc_end2:
_tile_overlayer_lowered:
.L_overlay_start_2:
0xd9: {  	(tag) =	ssettag $0x2  }
0xda: {  	s0 =	rddreg [dreg:$0x0];
	s2 =	stileid.u32  }
0xdb: {  	s1 =	rddreg [dreg:$0x1];
	p0 =	sne.s32 s2, $0x0  }
0xdc: {  	s3 =	rddreg [dreg:$0x2];
	[bflag:$0x3] =	sbarrier.arrive $0xFFFF;
	s2 =	simm.s32 @!p0 $0x1C01  }
0xdd: {  	[timem:s3], [sflag:s2] =	dma.local @!p0 [hbm:s0], s1  }
0xde: {  	s0 =	simm.s32 @!p0 $0x1  }
0xdf: {  	_ =	swait.ge @!p0 [sflag:s0], s1  }
0xe0: {  	s1 =	ssub.s32 @!p0 $0x0, s1;
	[sflag:s0] =	ssyncset.done @!p0 $0x0  }
0xe1: {  	[sflag:s0] =	ssyncadd.s32 @!p0 s1  }
0xe2: {  	[bflag:$0x3] =	sbarrier.arrive $0xFFFF  }
0xe3: {  	_ =	shalt  }

</sc_bundles>
